<compile_context>
chip_gen: v7x
topology: tpu7x:2x2x1
jax: 0.10.2.dev20260603
libtpu: 0.0.44.dev20260713+nightly
codegen_flags: <defaults>
</compile_context>

<pallas_src>
import functools

import jax
import jax.numpy as jnp
from jax import lax
from jax.experimental import pallas as pl
from jax.experimental.pallas import tpu as pltpu
from jax.experimental.pallas import tpu_sc as plsc

_NC, _NS, _L = 2, 16, 16
_NW = _NC * _NS


def _logits_body(E, x_ref, wc_ref, bc_ref, eps_ref, noisy_ref):
    x = x_ref[...]
    wc = wc_ref[...]
    out = jnp.dot(x, wc, preferred_element_type=jnp.float32) + bc_ref[...]
    out_t = out.T
    eps_t = eps_ref[...].T
    noisy = out_t[:E] + eps_t * jax.nn.softplus(out_t[E:])
    noisy_ref[...] = noisy[None]


def _route_sc(E, CH, noisy_hbm, probs_hbm, idx_hbm, stats_hbm,
              nbuf, pbuf, ibuf, sbuf):
    wid = lax.axis_index("s") * _NC + lax.axis_index("c")
    pltpu.sync_copy(noisy_hbm.at[wid], nbuf)

    def group(g, acc):
        accp, accc = acc
        base = g * _L
        v = [nbuf[e, pl.ds(base, _L)] for e in range(E)]
        zi = jnp.zeros((_L,), jnp.int32)
        zf = jnp.zeros((_L,), jnp.float32)
        sw = v[1] > v[0]
        m1 = jnp.maximum(v[0], v[1])
        m2 = jnp.minimum(v[0], v[1])
        a1 = jnp.where(sw, zi + 1, zi)
        a2 = jnp.where(sw, zi, zi + 1)
        for e in range(2, E):
            gt1 = v[e] > m1
            gt2 = v[e] > m2
            a2 = jnp.where(gt1, a1, jnp.where(gt2, zi + e, a2))
            m2 = jnp.where(gt1, m1, jnp.where(gt2, v[e], m2))
            a1 = jnp.where(gt1, zi + e, a1)
            m1 = jnp.where(gt1, v[e], m1)
        ex2 = jnp.exp(m2 - m1)
        p1 = 1.0 / (1.0 + ex2)
        p2 = ex2 * p1
        newp, newc = [], []
        for e in range(E):
            s1 = a1 == e
            s2 = a2 == e
            pe = jnp.where(s1, p1, jnp.where(s2, p2, zf))
            pbuf[e, pl.ds(base, _L)] = pe
            newp.append(accp[e] + pe)
            newc.append(accc[e] + jnp.where(s1 | s2, zf + 1.0, zf))
        ibuf[0, pl.ds(base, _L)] = a1
        ibuf[1, pl.ds(base, _L)] = a2
        return (newp, newc)

    zf = jnp.zeros((_L,), jnp.float32)
    accp, accc = lax.fori_loop(0, CH // _L, group, ([zf] * E, [zf] * E))
    for e in range(E):
        sbuf[e, :] = accp[e]
        sbuf[E + e, :] = accc[e]
    pltpu.sync_copy(pbuf, probs_hbm.at[wid])
    pltpu.sync_copy(ibuf, idx_hbm.at[wid])
    pltpu.sync_copy(sbuf, stats_hbm.at[wid])


_NCHUNK = 2


def kernel(x, W, b, Wn, bn, noise_eps):
    B, S, DIM = x.shape
    E = W.shape[0]
    K = 2
    N = B * S
    NCK = N // _NCHUNK
    CH = NCK // _NW
    T = CH

    x2 = x.reshape(_NCHUNK, NCK, DIM)
    eps2 = noise_eps.reshape(_NCHUNK, NCK, E)
    wc = jnp.concatenate([W, Wn], axis=0).T
    bc = jnp.concatenate([b, bn]).reshape(1, 2 * E)

    logits_call = pl.pallas_call(
        functools.partial(_logits_body, E),
        grid=(_NW,),
        in_specs=[
            pl.BlockSpec((T, DIM), lambda i: (i, 0)),
            pl.BlockSpec((DIM, 2 * E), lambda i: (0, 0)),
            pl.BlockSpec((1, 2 * E), lambda i: (0, 0)),
            pl.BlockSpec((T, E), lambda i: (i, 0)),
        ],
        out_specs=pl.BlockSpec((1, E, CH), lambda i: (i, 0, 0)),
        out_shape=jax.ShapeDtypeStruct((_NW, E, CH), jnp.float32),
        compiler_params=pltpu.CompilerParams(
            dimension_semantics=("arbitrary",),
        ),
    )

    mesh = plsc.VectorSubcoreMesh(core_axis_name="c", subcore_axis_name="s")
    route = pl.kernel(
        functools.partial(_route_sc, E, CH),
        out_type=[
            jax.ShapeDtypeStruct((_NW, E, CH), jnp.float32),
            jax.ShapeDtypeStruct((_NW, K, CH), jnp.int32),
            jax.ShapeDtypeStruct((_NW, 2 * E, _L), jnp.float32),
        ],
        mesh=mesh,
        scratch_types=[
            pltpu.VMEM((E, CH), jnp.float32),
            pltpu.VMEM((E, CH), jnp.float32),
            pltpu.VMEM((K, CH), jnp.int32),
            pltpu.VMEM((2 * E, _L), jnp.float32),
        ],
    )

    parts = []
    for ci in range(_NCHUNK):
        noisy = logits_call(x2[ci], wc, bc, eps2[ci])
        parts.append(route(noisy))

    probs_w = jnp.stack([p[0] for p in parts])
    idx_w = jnp.stack([p[1] for p in parts])
    stats = jnp.stack([p[2] for p in parts])

    probs = probs_w.transpose(0, 1, 3, 2).reshape(B, S, E)
    idx = idx_w.transpose(0, 1, 3, 2).reshape(B, S, K)
    prob_mean = stats[:, :, :E, :].sum(axis=(0, 1, 3)) / N
    prob_count = stats[:, :, E:, :].sum(axis=(0, 1, 3)) / N
    lb_loss = E * jnp.sum(prob_mean * prob_count)
    return (probs, idx, lb_loss)

# --- scband reference (transcript-rebuilt; emitter-appended) ---
"""Pipeline reference for scband-noisy-topk-router-45715631898864 (READ-ONLY COPY).

The authoritative reference and input builder live on the scoring server;
editing this copy changes nothing except your own understanding.
"""

import jax, jax.numpy as jnp
import numpy as np

B, S, DIM = 4, 4096, 2048
E, K = 8, 2


def setup_inputs(seed: int = 0) -> dict:
    key = jax.random.key(seed)
    k1, k2, k3, k4, k5, k6 = jax.random.split(key, 6)
    x = jax.random.normal(k1, (B, S, DIM), dtype=jnp.float32)
    bound = 1.0 / np.sqrt(DIM)
    W = jax.random.uniform(k2, (E, DIM), minval=-bound, maxval=bound, dtype=jnp.float32)
    b = jax.random.uniform(k3, (E,), minval=-bound, maxval=bound, dtype=jnp.float32)
    Wn = jax.random.uniform(k4, (E, DIM), minval=-bound, maxval=bound, dtype=jnp.float32)
    bn = jax.random.uniform(k5, (E,), minval=-bound, maxval=bound, dtype=jnp.float32)
    # pre-sampled gaussian noise, standing in for torch.randn_like(logits)
    noise_eps = jax.random.normal(k6, (B, S, E), dtype=jnp.float32)
    return {"x": x, "W": W, "b": b, "Wn": Wn, "bn": bn, "noise_eps": noise_eps}


def reference(x, W, b, Wn, bn, noise_eps):
    logits = x @ W.T + b
    noise_std = jax.nn.softplus(x @ Wn.T + bn)
    noisy_logits = logits + noise_eps * noise_std
    top_logits, indices = jax.lax.top_k(noisy_logits, K)
    # scatter(top_logits at indices) over a -inf canvas == keep noisy at top-k slots
    expert_mask = jnp.sum(jax.nn.one_hot(indices, E, dtype=noisy_logits.dtype), axis=-2)
    mask = jnp.where(expert_mask > 0, noisy_logits, -jnp.inf)
    probs = jax.nn.softmax(mask, axis=-1)
    prob_mean = probs.mean(axis=(0, 1))
    prob_count = expert_mask.mean(axis=(0, 1))
    lb_loss = E * jnp.sum(prob_mean * prob_count)
    return (probs, indices, lb_loss)

if __name__ == "__main__":
    import jax
    _d = setup_inputs()
    print(jax.jit(kernel)(*tuple(_d.values())))

</pallas_src>

<mosaic_0001>
#map = affine_map<(d0, d1) -> (0, 0, 0)>
module attributes {stable_mosaic.version = 14 : i64} {
  func.func @_route_sc(%arg0: i32, %arg1: i32, %arg2: memref<32x8x256xf32, #tpu.memory_space<hbm>>, %arg3: memref<32x8x256xf32, #tpu.memory_space<hbm>>, %arg4: memref<32x2x256xi32, #tpu.memory_space<hbm>>, %arg5: memref<32x16x16xf32, #tpu.memory_space<hbm>>, %arg6: memref<8x256xf32, #tpu.memory_space<vmem>>, %arg7: memref<8x256xf32, #tpu.memory_space<vmem>>, %arg8: memref<2x256xi32, #tpu.memory_space<vmem>>, %arg9: memref<16x16xf32, #tpu.memory_space<vmem>>) attributes {dimension_semantics = [#tpu.dimension_semantics<core_parallel>, #tpu.dimension_semantics<subcore_parallel>], iteration_bounds = array<i64: 2, 16>, scalar_prefetch = 0 : i64, scratch_operands = 4 : i64, tpu.core_type = #tpu.core_type<sc_vector_subcore>, window_params = [{transform_indices = #map}, {transform_indices = #map}, {transform_indices = #map}, {transform_indices = #map}]} {
    %mul3A = arith.constant 2 : i32
    %mul3A_0 = arith.muli %arg1, %mul3A : i32
    %add3A = arith.addi %mul3A_0, %arg0 : i32
    "tpu.region"() ({
      %run_scoped3A = tpu.sem_alloc : memref<!tpu.dma_semaphore, #tpu.memory_space<semaphore_mem>>
      %dma_start3A = arith.constant 0 : i32
      %dma_start3A_102 = arith.constant 0 : i32
      %dma_start3A_103 = tpu.memref_slice %arg2[%add3A, %dma_start3A, %dma_start3A_102] : memref<32x8x256xf32, #tpu.memory_space<hbm>> -> memref<1x8x256xf32, #tpu.memory_space<hbm>>
      %dma_start3A_104 = tpu.memref_squeeze %dma_start3A_103 : memref<1x8x256xf32, #tpu.memory_space<hbm>> -> memref<8x256xf32, #tpu.memory_space<hbm>>
      %dma_start3A_105 = arith.constant 0 : i32
      %dma_start3A_106 = arith.constant 0 : i32
      %dma_start3A_107 = tpu.memref_slice %arg2[%add3A, %dma_start3A_105, %dma_start3A_106] : memref<32x8x256xf32, #tpu.memory_space<hbm>> -> memref<1x8x256xf32, #tpu.memory_space<hbm>>
      %dma_start3A_108 = tpu.memref_squeeze %dma_start3A_107 : memref<1x8x256xf32, #tpu.memory_space<hbm>> -> memref<8x256xf32, #tpu.memory_space<hbm>>
      tpu.enqueue_dma source(%dma_start3A_108 : memref<8x256xf32, #tpu.memory_space<hbm>>) target(%arg6 : memref<8x256xf32, #tpu.memory_space<vmem>>) target_semaphore(%run_scoped3A : memref<!tpu.dma_semaphore, #tpu.memory_space<semaphore_mem>>)
      %dma_wait3A = arith.constant 0 : i32
      %dma_wait3A_109 = arith.constant 0 : i32
      %dma_wait3A_110 = tpu.memref_slice %arg2[%add3A, %dma_wait3A, %dma_wait3A_109] : memref<32x8x256xf32, #tpu.memory_space<hbm>> -> memref<1x8x256xf32, #tpu.memory_space<hbm>>
      %dma_wait3A_111 = tpu.memref_squeeze %dma_wait3A_110 : memref<1x8x256xf32, #tpu.memory_space<hbm>> -> memref<8x256xf32, #tpu.memory_space<hbm>>
      %dma_wait3A_112 = arith.constant 0 : i32
      %dma_wait3A_113 = arith.constant 0 : i32
      %dma_wait3A_114 = tpu.memref_slice %arg2[%add3A, %dma_wait3A_112, %dma_wait3A_113] : memref<32x8x256xf32, #tpu.memory_space<hbm>> -> memref<1x8x256xf32, #tpu.memory_space<hbm>>
      %dma_wait3A_115 = tpu.memref_squeeze %dma_wait3A_114 : memref<1x8x256xf32, #tpu.memory_space<hbm>> -> memref<8x256xf32, #tpu.memory_space<hbm>>
      tpu.wait_dma2 semaphore(%run_scoped3A : memref<!tpu.dma_semaphore, #tpu.memory_space<semaphore_mem>>) src(%dma_wait3A_115 : memref<8x256xf32, #tpu.memory_space<hbm>>) dst(%arg6 : memref<8x256xf32, #tpu.memory_space<vmem>>)
      tpu.yield
    }) : () -> ()
    %broadcast_in_dim3A = arith.constant 0.000000e+00 : f32
    %broadcast_in_dim3A_1 = vector.broadcast %broadcast_in_dim3A : f32 to vector<16xf32>
    %scan3A = arith.constant 0 : i32
    %scan3A_2 = arith.constant 16 : i32
    %scan3A_3 = arith.addi %scan3A, %scan3A_2 : i32
    %scan3A_4 = arith.constant 1 : i32
    %scan3A_5:16 = scf.for %scan3A_102 = %scan3A to %scan3A_3 step %scan3A_4 iter_args(%scan3A_103 = %broadcast_in_dim3A_1, %scan3A_104 = %broadcast_in_dim3A_1, %scan3A_105 = %broadcast_in_dim3A_1, %scan3A_106 = %broadcast_in_dim3A_1, %scan3A_107 = %broadcast_in_dim3A_1, %scan3A_108 = %broadcast_in_dim3A_1, %scan3A_109 = %broadcast_in_dim3A_1, %scan3A_110 = %broadcast_in_dim3A_1, %scan3A_111 = %broadcast_in_dim3A_1, %scan3A_112 = %broadcast_in_dim3A_1, %scan3A_113 = %broadcast_in_dim3A_1, %scan3A_114 = %broadcast_in_dim3A_1, %scan3A_115 = %broadcast_in_dim3A_1, %scan3A_116 = %broadcast_in_dim3A_1, %scan3A_117 = %broadcast_in_dim3A_1, %scan3A_118 = %broadcast_in_dim3A_1) -> (vector<16xf32>, vector<16xf32>, vector<16xf32>, vector<16xf32>, vector<16xf32>, vector<16xf32>, vector<16xf32>, vector<16xf32>, vector<16xf32>, vector<16xf32>, vector<16xf32>, vector<16xf32>, vector<16xf32>, vector<16xf32>, vector<16xf32>, vector<16xf32>)  : i32 {
      %mul3A_119 = arith.constant 16 : i32
      %mul3A_120 = arith.muli %scan3A_102, %mul3A_119 : i32
      %get3A = arith.constant 0 : i32
      %get3A_121 = arith.index_cast %get3A : i32 to index
      %get3A_122 = arith.index_cast %mul3A_120 : i32 to index
      %get3A_123 = tpu.vector_load %arg6[%get3A_121, %get3A_122] {strides = array<i32>} : memref<8x256xf32, #tpu.memory_space<vmem>>, vector<1x16xf32>,
      %get3A_124 = vector.shape_cast %get3A_123 : vector<1x16xf32> to vector<16xf32>
      %get3A_125 = arith.constant 1 : i32
      %get3A_126 = arith.index_cast %get3A_125 : i32 to index
      %get3A_127 = arith.index_cast %mul3A_120 : i32 to index
      %get3A_128 = tpu.vector_load %arg6[%get3A_126, %get3A_127] {strides = array<i32>} : memref<8x256xf32, #tpu.memory_space<vmem>>, vector<1x16xf32>,
      %get3A_129 = vector.shape_cast %get3A_128 : vector<1x16xf32> to vector<16xf32>
      %get3A_130 = arith.constant 2 : i32
      %get3A_131 = arith.index_cast %get3A_130 : i32 to index
      %get3A_132 = arith.index_cast %mul3A_120 : i32 to index
      %get3A_133 = tpu.vector_load %arg6[%get3A_131, %get3A_132] {strides = array<i32>} : memref<8x256xf32, #tpu.memory_space<vmem>>, vector<1x16xf32>,
      %get3A_134 = vector.shape_cast %get3A_133 : vector<1x16xf32> to vector<16xf32>
      %get3A_135 = arith.constant 3 : i32
      %get3A_136 = arith.index_cast %get3A_135 : i32 to index
      %get3A_137 = arith.index_cast %mul3A_120 : i32 to index
      %get3A_138 = tpu.vector_load %arg6[%get3A_136, %get3A_137] {strides = array<i32>} : memref<8x256xf32, #tpu.memory_space<vmem>>, vector<1x16xf32>,
      %get3A_139 = vector.shape_cast %get3A_138 : vector<1x16xf32> to vector<16xf32>
      %get3A_140 = arith.constant 4 : i32
      %get3A_141 = arith.index_cast %get3A_140 : i32 to index
      %get3A_142 = arith.index_cast %mul3A_120 : i32 to index
      %get3A_143 = tpu.vector_load %arg6[%get3A_141, %get3A_142] {strides = array<i32>} : memref<8x256xf32, #tpu.memory_space<vmem>>, vector<1x16xf32>,
      %get3A_144 = vector.shape_cast %get3A_143 : vector<1x16xf32> to vector<16xf32>
      %get3A_145 = arith.constant 5 : i32
      %get3A_146 = arith.index_cast %get3A_145 : i32 to index
      %get3A_147 = arith.index_cast %mul3A_120 : i32 to index
      %get3A_148 = tpu.vector_load %arg6[%get3A_146, %get3A_147] {strides = array<i32>} : memref<8x256xf32, #tpu.memory_space<vmem>>, vector<1x16xf32>,
      %get3A_149 = vector.shape_cast %get3A_148 : vector<1x16xf32> to vector<16xf32>
      %get3A_150 = arith.constant 6 : i32
      %get3A_151 = arith.index_cast %get3A_150 : i32 to index
      %get3A_152 = arith.index_cast %mul3A_120 : i32 to index
      %get3A_153 = tpu.vector_load %arg6[%get3A_151, %get3A_152] {strides = array<i32>} : memref<8x256xf32, #tpu.memory_space<vmem>>, vector<1x16xf32>,
      %get3A_154 = vector.shape_cast %get3A_153 : vector<1x16xf32> to vector<16xf32>
      %get3A_155 = arith.constant 7 : i32
      %get3A_156 = arith.index_cast %get3A_155 : i32 to index
      %get3A_157 = arith.index_cast %mul3A_120 : i32 to index
      %get3A_158 = tpu.vector_load %arg6[%get3A_156, %get3A_157] {strides = array<i32>} : memref<8x256xf32, #tpu.memory_space<vmem>>, vector<1x16xf32>,
      %get3A_159 = vector.shape_cast %get3A_158 : vector<1x16xf32> to vector<16xf32>
      %broadcast_in_dim3A_160 = arith.constant 0 : i32
      %broadcast_in_dim3A_161 = vector.broadcast %broadcast_in_dim3A_160 : i32 to vector<16xi32>
      %broadcast_in_dim3A_162 = arith.constant 0.000000e+00 : f32
      %broadcast_in_dim3A_163 = vector.broadcast %broadcast_in_dim3A_162 : f32 to vector<16xf32>
      %gt3A = arith.cmpf ogt, %get3A_129, %get3A_124 : vector<16xf32>
      %max3A = arith.maximumf %get3A_124, %get3A_129 : vector<16xf32>
      %min3A = arith.minimumf %get3A_124, %get3A_129 : vector<16xf32>
      %add3A_164 = arith.constant 1 : i32
      %add3A_165 = vector.broadcast %add3A_164 : i32 to vector<16xi32>
      %add3A_166 = arith.addi %broadcast_in_dim3A_161, %add3A_165 : vector<16xi32>
      %select_n3A = arith.select %gt3A, %add3A_166, %broadcast_in_dim3A_161 : vector<16xi1>, vector<16xi32>
      %add3A_167 = arith.constant 1 : i32
      %add3A_168 = vector.broadcast %add3A_167 : i32 to vector<16xi32>
      %add3A_169 = arith.addi %broadcast_in_dim3A_161, %add3A_168 : vector<16xi32>
      %select_n3A_170 = arith.select %gt3A, %broadcast_in_dim3A_161, %add3A_169 : vector<16xi1>, vector<16xi32>
      %gt3A_171 = arith.cmpf ogt, %get3A_134, %max3A : vector<16xf32>
      %gt3A_172 = arith.cmpf ogt, %get3A_134, %min3A : vector<16xf32>
      %add3A_173 = arith.constant 2 : i32
      %add3A_174 = vector.broadcast %add3A_173 : i32 to vector<16xi32>
      %add3A_175 = arith.addi %broadcast_in_dim3A_161, %add3A_174 : vector<16xi32>
      %select_n3A_176 = arith.select %gt3A_172, %add3A_175, %select_n3A_170 : vector<16xi1>, vector<16xi32>
      %select_n3A_177 = arith.select %gt3A_171, %select_n3A, %select_n3A_176 : vector<16xi1>, vector<16xi32>
      %select_n3A_178 = arith.select %gt3A_172, %get3A_134, %min3A : vector<16xi1>, vector<16xf32>
      %select_n3A_179 = arith.select %gt3A_171, %max3A, %select_n3A_178 : vector<16xi1>, vector<16xf32>
      %add3A_180 = arith.constant 2 : i32
      %add3A_181 = vector.broadcast %add3A_180 : i32 to vector<16xi32>
      %add3A_182 = arith.addi %broadcast_in_dim3A_161, %add3A_181 : vector<16xi32>
      %select_n3A_183 = arith.select %gt3A_171, %add3A_182, %select_n3A : vector<16xi1>, vector<16xi32>
      %select_n3A_184 = arith.select %gt3A_171, %get3A_134, %max3A : vector<16xi1>, vector<16xf32>
      %gt3A_185 = arith.cmpf ogt, %get3A_139, %select_n3A_184 : vector<16xf32>
      %gt3A_186 = arith.cmpf ogt, %get3A_139, %select_n3A_179 : vector<16xf32>
      %add3A_187 = arith.constant 3 : i32
      %add3A_188 = vector.broadcast %add3A_187 : i32 to vector<16xi32>
      %add3A_189 = arith.addi %broadcast_in_dim3A_161, %add3A_188 : vector<16xi32>
      %select_n3A_190 = arith.select %gt3A_186, %add3A_189, %select_n3A_177 : vector<16xi1>, vector<16xi32>
      %select_n3A_191 = arith.select %gt3A_185, %select_n3A_183, %select_n3A_190 : vector<16xi1>, vector<16xi32>
      %select_n3A_192 = arith.select %gt3A_186, %get3A_139, %select_n3A_179 : vector<16xi1>, vector<16xf32>
      %select_n3A_193 = arith.select %gt3A_185, %select_n3A_184, %select_n3A_192 : vector<16xi1>, vector<16xf32>
      %add3A_194 = arith.constant 3 : i32
      %add3A_195 = vector.broadcast %add3A_194 : i32 to vector<16xi32>
      %add3A_196 = arith.addi %broadcast_in_dim3A_161, %add3A_195 : vector<16xi32>
      %select_n3A_197 = arith.select %gt3A_185, %add3A_196, %select_n3A_183 : vector<16xi1>, vector<16xi32>
      %select_n3A_198 = arith.select %gt3A_185, %get3A_139, %select_n3A_184 : vector<16xi1>, vector<16xf32>
      %gt3A_199 = arith.cmpf ogt, %get3A_144, %select_n3A_198 : vector<16xf32>
      %gt3A_200 = arith.cmpf ogt, %get3A_144, %select_n3A_193 : vector<16xf32>
      %add3A_201 = arith.constant 4 : i32
      %add3A_202 = vector.broadcast %add3A_201 : i32 to vector<16xi32>
      %add3A_203 = arith.addi %broadcast_in_dim3A_161, %add3A_202 : vector<16xi32>
      %select_n3A_204 = arith.select %gt3A_200, %add3A_203, %select_n3A_191 : vector<16xi1>, vector<16xi32>
      %select_n3A_205 = arith.select %gt3A_199, %select_n3A_197, %select_n3A_204 : vector<16xi1>, vector<16xi32>
      %select_n3A_206 = arith.select %gt3A_200, %get3A_144, %select_n3A_193 : vector<16xi1>, vector<16xf32>
      %select_n3A_207 = arith.select %gt3A_199, %select_n3A_198, %select_n3A_206 : vector<16xi1>, vector<16xf32>
      %add3A_208 = arith.constant 4 : i32
      %add3A_209 = vector.broadcast %add3A_208 : i32 to vector<16xi32>
      %add3A_210 = arith.addi %broadcast_in_dim3A_161, %add3A_209 : vector<16xi32>
      %select_n3A_211 = arith.select %gt3A_199, %add3A_210, %select_n3A_197 : vector<16xi1>, vector<16xi32>
      %select_n3A_212 = arith.select %gt3A_199, %get3A_144, %select_n3A_198 : vector<16xi1>, vector<16xf32>
      %gt3A_213 = arith.cmpf ogt, %get3A_149, %select_n3A_212 : vector<16xf32>
      %gt3A_214 = arith.cmpf ogt, %get3A_149, %select_n3A_207 : vector<16xf32>
      %add3A_215 = arith.constant 5 : i32
      %add3A_216 = vector.broadcast %add3A_215 : i32 to vector<16xi32>
      %add3A_217 = arith.addi %broadcast_in_dim3A_161, %add3A_216 : vector<16xi32>
      %select_n3A_218 = arith.select %gt3A_214, %add3A_217, %select_n3A_205 : vector<16xi1>, vector<16xi32>
      %select_n3A_219 = arith.select %gt3A_213, %select_n3A_211, %select_n3A_218 : vector<16xi1>, vector<16xi32>
      %select_n3A_220 = arith.select %gt3A_214, %get3A_149, %select_n3A_207 : vector<16xi1>, vector<16xf32>
      %select_n3A_221 = arith.select %gt3A_213, %select_n3A_212, %select_n3A_220 : vector<16xi1>, vector<16xf32>
      %add3A_222 = arith.constant 5 : i32
      %add3A_223 = vector.broadcast %add3A_222 : i32 to vector<16xi32>
      %add3A_224 = arith.addi %broadcast_in_dim3A_161, %add3A_223 : vector<16xi32>
      %select_n3A_225 = arith.select %gt3A_213, %add3A_224, %select_n3A_211 : vector<16xi1>, vector<16xi32>
      %select_n3A_226 = arith.select %gt3A_213, %get3A_149, %select_n3A_212 : vector<16xi1>, vector<16xf32>
      %gt3A_227 = arith.cmpf ogt, %get3A_154, %select_n3A_226 : vector<16xf32>
      %gt3A_228 = arith.cmpf ogt, %get3A_154, %select_n3A_221 : vector<16xf32>
      %add3A_229 = arith.constant 6 : i32
      %add3A_230 = vector.broadcast %add3A_229 : i32 to vector<16xi32>
      %add3A_231 = arith.addi %broadcast_in_dim3A_161, %add3A_230 : vector<16xi32>
      %select_n3A_232 = arith.select %gt3A_228, %add3A_231, %select_n3A_219 : vector<16xi1>, vector<16xi32>
      %select_n3A_233 = arith.select %gt3A_227, %select_n3A_225, %select_n3A_232 : vector<16xi1>, vector<16xi32>
      %select_n3A_234 = arith.select %gt3A_228, %get3A_154, %select_n3A_221 : vector<16xi1>, vector<16xf32>
      %select_n3A_235 = arith.select %gt3A_227, %select_n3A_226, %select_n3A_234 : vector<16xi1>, vector<16xf32>
      %add3A_236 = arith.constant 6 : i32
      %add3A_237 = vector.broadcast %add3A_236 : i32 to vector<16xi32>
      %add3A_238 = arith.addi %broadcast_in_dim3A_161, %add3A_237 : vector<16xi32>
      %select_n3A_239 = arith.select %gt3A_227, %add3A_238, %select_n3A_225 : vector<16xi1>, vector<16xi32>
      %select_n3A_240 = arith.select %gt3A_227, %get3A_154, %select_n3A_226 : vector<16xi1>, vector<16xf32>
      %gt3A_241 = arith.cmpf ogt, %get3A_159, %select_n3A_240 : vector<16xf32>
      %gt3A_242 = arith.cmpf ogt, %get3A_159, %select_n3A_235 : vector<16xf32>
      %add3A_243 = arith.constant 7 : i32
      %add3A_244 = vector.broadcast %add3A_243 : i32 to vector<16xi32>
      %add3A_245 = arith.addi %broadcast_in_dim3A_161, %add3A_244 : vector<16xi32>
      %select_n3A_246 = arith.select %gt3A_242, %add3A_245, %select_n3A_233 : vector<16xi1>, vector<16xi32>
      %select_n3A_247 = arith.select %gt3A_241, %select_n3A_239, %select_n3A_246 : vector<16xi1>, vector<16xi32>
      %select_n3A_248 = arith.select %gt3A_242, %get3A_159, %select_n3A_235 : vector<16xi1>, vector<16xf32>
      %select_n3A_249 = arith.select %gt3A_241, %select_n3A_240, %select_n3A_248 : vector<16xi1>, vector<16xf32>
      %add3A_250 = arith.constant 7 : i32
      %add3A_251 = vector.broadcast %add3A_250 : i32 to vector<16xi32>
      %add3A_252 = arith.addi %broadcast_in_dim3A_161, %add3A_251 : vector<16xi32>
      %select_n3A_253 = arith.select %gt3A_241, %add3A_252, %select_n3A_239 : vector<16xi1>, vector<16xi32>
      %select_n3A_254 = arith.select %gt3A_241, %get3A_159, %select_n3A_240 : vector<16xi1>, vector<16xf32>
      %sub3A = arith.subf %select_n3A_249, %select_n3A_254 : vector<16xf32>
      %exp3A = math.exp %sub3A : vector<16xf32>
      %add3A_255 = arith.constant 1.000000e+00 : f32
      %add3A_256 = vector.broadcast %add3A_255 : f32 to vector<16xf32>
      %add3A_257 = arith.addf %add3A_256, %exp3A : vector<16xf32>
      %div3A = arith.constant 1.000000e+00 : f32
      %div3A_258 = vector.broadcast %div3A : f32 to vector<16xf32>
      %div3A_259 = arith.divf %div3A_258, %add3A_257 : vector<16xf32>
      %mul3A_260 = arith.mulf %exp3A, %div3A_259 : vector<16xf32>
      %eq3A = arith.constant 0 : i32
      %eq3A_261 = vector.broadcast %eq3A : i32 to vector<16xi32>
      %eq3A_262 = arith.cmpi eq, %select_n3A_253, %eq3A_261 : vector<16xi32>
      %eq3A_263 = arith.constant 0 : i32
      %eq3A_264 = vector.broadcast %eq3A_263 : i32 to vector<16xi32>
      %eq3A_265 = arith.cmpi eq, %select_n3A_247, %eq3A_264 : vector<16xi32>
      %select_n3A_266 = arith.select %eq3A_265, %mul3A_260, %broadcast_in_dim3A_163 : vector<16xi1>, vector<16xf32>
      %select_n3A_267 = arith.select %eq3A_262, %div3A_259, %select_n3A_266 : vector<16xi1>, vector<16xf32>
      %swap3A_268 = arith.constant 0 : i32
      %swap3A_269 = arith.index_cast %swap3A_268 : i32 to index
      %swap3A_270 = arith.index_cast %mul3A_120 : i32 to index
      %swap3A_271 = tpu.vector_load %arg7[%swap3A_269, %swap3A_270] {strides = array<i32>} : memref<8x256xf32, #tpu.memory_space<vmem>>, vector<1x16xf32>,
      %swap3A_272 = vector.shape_cast %swap3A_271 : vector<1x16xf32> to vector<16xf32>
      %swap3A_273 = vector.shape_cast %select_n3A_267 : vector<16xf32> to vector<1x16xf32>
      tpu.vector_store %arg7[%swap3A_269, %swap3A_270], %swap3A_273 {strides = array<i32>} : memref<8x256xf32, #tpu.memory_space<vmem>>, vector<1x16xf32>,
      %add3A_274 = arith.addf %scan3A_103, %select_n3A_267 : vector<16xf32>
      %or3A = arith.ori %eq3A_262, %eq3A_265 : vector<16xi1>
      %add3A_275 = arith.constant 1.000000e+00 : f32
      %add3A_276 = vector.broadcast %add3A_275 : f32 to vector<16xf32>
      %add3A_277 = arith.addf %broadcast_in_dim3A_163, %add3A_276 : vector<16xf32>
      %select_n3A_278 = arith.select %or3A, %add3A_277, %broadcast_in_dim3A_163 : vector<16xi1>, vector<16xf32>
      %add3A_279 = arith.addf %scan3A_111, %select_n3A_278 : vector<16xf32>
      %eq3A_280 = arith.constant 1 : i32
      %eq3A_281 = vector.broadcast %eq3A_280 : i32 to vector<16xi32>
      %eq3A_282 = arith.cmpi eq, %select_n3A_253, %eq3A_281 : vector<16xi32>
      %eq3A_283 = arith.constant 1 : i32
      %eq3A_284 = vector.broadcast %eq3A_283 : i32 to vector<16xi32>
      %eq3A_285 = arith.cmpi eq, %select_n3A_247, %eq3A_284 : vector<16xi32>
      %select_n3A_286 = arith.select %eq3A_285, %mul3A_260, %broadcast_in_dim3A_163 : vector<16xi1>, vector<16xf32>
      %select_n3A_287 = arith.select %eq3A_282, %div3A_259, %select_n3A_286 : vector<16xi1>, vector<16xf32>
      %swap3A_288 = arith.constant 1 : i32
      %swap3A_289 = arith.index_cast %swap3A_288 : i32 to index
      %swap3A_290 = arith.index_cast %mul3A_120 : i32 to index
      %swap3A_291 = tpu.vector_load %arg7[%swap3A_289, %swap3A_290] {strides = array<i32>} : memref<8x256xf32, #tpu.memory_space<vmem>>, vector<1x16xf32>,
      %swap3A_292 = vector.shape_cast %swap3A_291 : vector<1x16xf32> to vector<16xf32>
      %swap3A_293 = vector.shape_cast %select_n3A_287 : vector<16xf32> to vector<1x16xf32>
      tpu.vector_store %arg7[%swap3A_289, %swap3A_290], %swap3A_293 {strides = array<i32>} : memref<8x256xf32, #tpu.memory_space<vmem>>, vector<1x16xf32>,
      %add3A_294 = arith.addf %scan3A_104, %select_n3A_287 : vector<16xf32>
      %or3A_295 = arith.ori %eq3A_282, %eq3A_285 : vector<16xi1>
      %add3A_296 = arith.constant 1.000000e+00 : f32
      %add3A_297 = vector.broadcast %add3A_296 : f32 to vector<16xf32>
      %add3A_298 = arith.addf %broadcast_in_dim3A_163, %add3A_297 : vector<16xf32>
      %select_n3A_299 = arith.select %or3A_295, %add3A_298, %broadcast_in_dim3A_163 : vector<16xi1>, vector<16xf32>
      %add3A_300 = arith.addf %scan3A_112, %select_n3A_299 : vector<16xf32>
      %eq3A_301 = arith.constant 2 : i32
      %eq3A_302 = vector.broadcast %eq3A_301 : i32 to vector<16xi32>
      %eq3A_303 = arith.cmpi eq, %select_n3A_253, %eq3A_302 : vector<16xi32>
      %eq3A_304 = arith.constant 2 : i32
      %eq3A_305 = vector.broadcast %eq3A_304 : i32 to vector<16xi32>
      %eq3A_306 = arith.cmpi eq, %select_n3A_247, %eq3A_305 : vector<16xi32>
      %select_n3A_307 = arith.select %eq3A_306, %mul3A_260, %broadcast_in_dim3A_163 : vector<16xi1>, vector<16xf32>
      %select_n3A_308 = arith.select %eq3A_303, %div3A_259, %select_n3A_307 : vector<16xi1>, vector<16xf32>
      %swap3A_309 = arith.constant 2 : i32
      %swap3A_310 = arith.index_cast %swap3A_309 : i32 to index
      %swap3A_311 = arith.index_cast %mul3A_120 : i32 to index
      %swap3A_312 = tpu.vector_load %arg7[%swap3A_310, %swap3A_311] {strides = array<i32>} : memref<8x256xf32, #tpu.memory_space<vmem>>, vector<1x16xf32>,
      %swap3A_313 = vector.shape_cast %swap3A_312 : vector<1x16xf32> to vector<16xf32>
      %swap3A_314 = vector.shape_cast %select_n3A_308 : vector<16xf32> to vector<1x16xf32>
      tpu.vector_store %arg7[%swap3A_310, %swap3A_311], %swap3A_314 {strides = array<i32>} : memref<8x256xf32, #tpu.memory_space<vmem>>, vector<1x16xf32>,
      %add3A_315 = arith.addf %scan3A_105, %select_n3A_308 : vector<16xf32>
      %or3A_316 = arith.ori %eq3A_303, %eq3A_306 : vector<16xi1>
      %add3A_317 = arith.constant 1.000000e+00 : f32
      %add3A_318 = vector.broadcast %add3A_317 : f32 to vector<16xf32>
      %add3A_319 = arith.addf %broadcast_in_dim3A_163, %add3A_318 : vector<16xf32>
      %select_n3A_320 = arith.select %or3A_316, %add3A_319, %broadcast_in_dim3A_163 : vector<16xi1>, vector<16xf32>
      %add3A_321 = arith.addf %scan3A_113, %select_n3A_320 : vector<16xf32>
      %eq3A_322 = arith.constant 3 : i32
      %eq3A_323 = vector.broadcast %eq3A_322 : i32 to vector<16xi32>
      %eq3A_324 = arith.cmpi eq, %select_n3A_253, %eq3A_323 : vector<16xi32>
      %eq3A_325 = arith.constant 3 : i32
      %eq3A_326 = vector.broadcast %eq3A_325 : i32 to vector<16xi32>
      %eq3A_327 = arith.cmpi eq, %select_n3A_247, %eq3A_326 : vector<16xi32>
      %select_n3A_328 = arith.select %eq3A_327, %mul3A_260, %broadcast_in_dim3A_163 : vector<16xi1>, vector<16xf32>
      %select_n3A_329 = arith.select %eq3A_324, %div3A_259, %select_n3A_328 : vector<16xi1>, vector<16xf32>
      %swap3A_330 = arith.constant 3 : i32
      %swap3A_331 = arith.index_cast %swap3A_330 : i32 to index
      %swap3A_332 = arith.index_cast %mul3A_120 : i32 to index
      %swap3A_333 = tpu.vector_load %arg7[%swap3A_331, %swap3A_332] {strides = array<i32>} : memref<8x256xf32, #tpu.memory_space<vmem>>, vector<1x16xf32>,
      %swap3A_334 = vector.shape_cast %swap3A_333 : vector<1x16xf32> to vector<16xf32>
      %swap3A_335 = vector.shape_cast %select_n3A_329 : vector<16xf32> to vector<1x16xf32>
      tpu.vector_store %arg7[%swap3A_331, %swap3A_332], %swap3A_335 {strides = array<i32>} : memref<8x256xf32, #tpu.memory_space<vmem>>, vector<1x16xf32>,
      %add3A_336 = arith.addf %scan3A_106, %select_n3A_329 : vector<16xf32>
      %or3A_337 = arith.ori %eq3A_324, %eq3A_327 : vector<16xi1>
      %add3A_338 = arith.constant 1.000000e+00 : f32
      %add3A_339 = vector.broadcast %add3A_338 : f32 to vector<16xf32>
      %add3A_340 = arith.addf %broadcast_in_dim3A_163, %add3A_339 : vector<16xf32>
      %select_n3A_341 = arith.select %or3A_337, %add3A_340, %broadcast_in_dim3A_163 : vector<16xi1>, vector<16xf32>
      %add3A_342 = arith.addf %scan3A_114, %select_n3A_341 : vector<16xf32>
      %eq3A_343 = arith.constant 4 : i32
      %eq3A_344 = vector.broadcast %eq3A_343 : i32 to vector<16xi32>
      %eq3A_345 = arith.cmpi eq, %select_n3A_253, %eq3A_344 : vector<16xi32>
      %eq3A_346 = arith.constant 4 : i32
      %eq3A_347 = vector.broadcast %eq3A_346 : i32 to vector<16xi32>
      %eq3A_348 = arith.cmpi eq, %select_n3A_247, %eq3A_347 : vector<16xi32>
      %select_n3A_349 = arith.select %eq3A_348, %mul3A_260, %broadcast_in_dim3A_163 : vector<16xi1>, vector<16xf32>
      %select_n3A_350 = arith.select %eq3A_345, %div3A_259, %select_n3A_349 : vector<16xi1>, vector<16xf32>
      %swap3A_351 = arith.constant 4 : i32
      %swap3A_352 = arith.index_cast %swap3A_351 : i32 to index
      %swap3A_353 = arith.index_cast %mul3A_120 : i32 to index
      %swap3A_354 = tpu.vector_load %arg7[%swap3A_352, %swap3A_353] {strides = array<i32>} : memref<8x256xf32, #tpu.memory_space<vmem>>, vector<1x16xf32>,
      %swap3A_355 = vector.shape_cast %swap3A_354 : vector<1x16xf32> to vector<16xf32>
      %swap3A_356 = vector.shape_cast %select_n3A_350 : vector<16xf32> to vector<1x16xf32>
      tpu.vector_store %arg7[%swap3A_352, %swap3A_353], %swap3A_356 {strides = array<i32>} : memref<8x256xf32, #tpu.memory_space<vmem>>, vector<1x16xf32>,
      %add3A_357 = arith.addf %scan3A_107, %select_n3A_350 : vector<16xf32>
      %or3A_358 = arith.ori %eq3A_345, %eq3A_348 : vector<16xi1>
      %add3A_359 = arith.constant 1.000000e+00 : f32
      %add3A_360 = vector.broadcast %add3A_359 : f32 to vector<16xf32>
      %add3A_361 = arith.addf %broadcast_in_dim3A_163, %add3A_360 : vector<16xf32>
      %select_n3A_362 = arith.select %or3A_358, %add3A_361, %broadcast_in_dim3A_163 : vector<16xi1>, vector<16xf32>
      %add3A_363 = arith.addf %scan3A_115, %select_n3A_362 : vector<16xf32>
      %eq3A_364 = arith.constant 5 : i32
      %eq3A_365 = vector.broadcast %eq3A_364 : i32 to vector<16xi32>
      %eq3A_366 = arith.cmpi eq, %select_n3A_253, %eq3A_365 : vector<16xi32>
      %eq3A_367 = arith.constant 5 : i32
      %eq3A_368 = vector.broadcast %eq3A_367 : i32 to vector<16xi32>
      %eq3A_369 = arith.cmpi eq, %select_n3A_247, %eq3A_368 : vector<16xi32>
      %select_n3A_370 = arith.select %eq3A_369, %mul3A_260, %broadcast_in_dim3A_163 : vector<16xi1>, vector<16xf32>
      %select_n3A_371 = arith.select %eq3A_366, %div3A_259, %select_n3A_370 : vector<16xi1>, vector<16xf32>
      %swap3A_372 = arith.constant 5 : i32
      %swap3A_373 = arith.index_cast %swap3A_372 : i32 to index
      %swap3A_374 = arith.index_cast %mul3A_120 : i32 to index
      %swap3A_375 = tpu.vector_load %arg7[%swap3A_373, %swap3A_374] {strides = array<i32>} : memref<8x256xf32, #tpu.memory_space<vmem>>, vector<1x16xf32>,
      %swap3A_376 = vector.shape_cast %swap3A_375 : vector<1x16xf32> to vector<16xf32>
      %swap3A_377 = vector.shape_cast %select_n3A_371 : vector<16xf32> to vector<1x16xf32>
      tpu.vector_store %arg7[%swap3A_373, %swap3A_374], %swap3A_377 {strides = array<i32>} : memref<8x256xf32, #tpu.memory_space<vmem>>, vector<1x16xf32>,
      %add3A_378 = arith.addf %scan3A_108, %select_n3A_371 : vector<16xf32>
      %or3A_379 = arith.ori %eq3A_366, %eq3A_369 : vector<16xi1>
      %add3A_380 = arith.constant 1.000000e+00 : f32
      %add3A_381 = vector.broadcast %add3A_380 : f32 to vector<16xf32>
      %add3A_382 = arith.addf %broadcast_in_dim3A_163, %add3A_381 : vector<16xf32>
      %select_n3A_383 = arith.select %or3A_379, %add3A_382, %broadcast_in_dim3A_163 : vector<16xi1>, vector<16xf32>
      %add3A_384 = arith.addf %scan3A_116, %select_n3A_383 : vector<16xf32>
      %eq3A_385 = arith.constant 6 : i32
      %eq3A_386 = vector.broadcast %eq3A_385 : i32 to vector<16xi32>
      %eq3A_387 = arith.cmpi eq, %select_n3A_253, %eq3A_386 : vector<16xi32>
      %eq3A_388 = arith.constant 6 : i32
      %eq3A_389 = vector.broadcast %eq3A_388 : i32 to vector<16xi32>
      %eq3A_390 = arith.cmpi eq, %select_n3A_247, %eq3A_389 : vector<16xi32>
      %select_n3A_391 = arith.select %eq3A_390, %mul3A_260, %broadcast_in_dim3A_163 : vector<16xi1>, vector<16xf32>
      %select_n3A_392 = arith.select %eq3A_387, %div3A_259, %select_n3A_391 : vector<16xi1>, vector<16xf32>
      %swap3A_393 = arith.constant 6 : i32
      %swap3A_394 = arith.index_cast %swap3A_393 : i32 to index
      %swap3A_395 = arith.index_cast %mul3A_120 : i32 to index
      %swap3A_396 = tpu.vector_load %arg7[%swap3A_394, %swap3A_395] {strides = array<i32>} : memref<8x256xf32, #tpu.memory_space<vmem>>, vector<1x16xf32>,
      %swap3A_397 = vector.shape_cast %swap3A_396 : vector<1x16xf32> to vector<16xf32>
      %swap3A_398 = vector.shape_cast %select_n3A_392 : vector<16xf32> to vector<1x16xf32>
      tpu.vector_store %arg7[%swap3A_394, %swap3A_395], %swap3A_398 {strides = array<i32>} : memref<8x256xf32, #tpu.memory_space<vmem>>, vector<1x16xf32>,
      %add3A_399 = arith.addf %scan3A_109, %select_n3A_392 : vector<16xf32>
      %or3A_400 = arith.ori %eq3A_387, %eq3A_390 : vector<16xi1>
      %add3A_401 = arith.constant 1.000000e+00 : f32
      %add3A_402 = vector.broadcast %add3A_401 : f32 to vector<16xf32>
      %add3A_403 = arith.addf %broadcast_in_dim3A_163, %add3A_402 : vector<16xf32>
      %select_n3A_404 = arith.select %or3A_400, %add3A_403, %broadcast_in_dim3A_163 : vector<16xi1>, vector<16xf32>
      %add3A_405 = arith.addf %scan3A_117, %select_n3A_404 : vector<16xf32>
      %eq3A_406 = arith.constant 7 : i32
      %eq3A_407 = vector.broadcast %eq3A_406 : i32 to vector<16xi32>
      %eq3A_408 = arith.cmpi eq, %select_n3A_253, %eq3A_407 : vector<16xi32>
      %eq3A_409 = arith.constant 7 : i32
      %eq3A_410 = vector.broadcast %eq3A_409 : i32 to vector<16xi32>
      %eq3A_411 = arith.cmpi eq, %select_n3A_247, %eq3A_410 : vector<16xi32>
      %select_n3A_412 = arith.select %eq3A_411, %mul3A_260, %broadcast_in_dim3A_163 : vector<16xi1>, vector<16xf32>
      %select_n3A_413 = arith.select %eq3A_408, %div3A_259, %select_n3A_412 : vector<16xi1>, vector<16xf32>
      %swap3A_414 = arith.constant 7 : i32
      %swap3A_415 = arith.index_cast %swap3A_414 : i32 to index
      %swap3A_416 = arith.index_cast %mul3A_120 : i32 to index
      %swap3A_417 = tpu.vector_load %arg7[%swap3A_415, %swap3A_416] {strides = array<i32>} : memref<8x256xf32, #tpu.memory_space<vmem>>, vector<1x16xf32>,
      %swap3A_418 = vector.shape_cast %swap3A_417 : vector<1x16xf32> to vector<16xf32>
      %swap3A_419 = vector.shape_cast %select_n3A_413 : vector<16xf32> to vector<1x16xf32>
      tpu.vector_store %arg7[%swap3A_415, %swap3A_416], %swap3A_419 {strides = array<i32>} : memref<8x256xf32, #tpu.memory_space<vmem>>, vector<1x16xf32>,
      %add3A_420 = arith.addf %scan3A_110, %select_n3A_413 : vector<16xf32>
      %or3A_421 = arith.ori %eq3A_408, %eq3A_411 : vector<16xi1>
      %add3A_422 = arith.constant 1.000000e+00 : f32
      %add3A_423 = vector.broadcast %add3A_422 : f32 to vector<16xf32>
      %add3A_424 = arith.addf %broadcast_in_dim3A_163, %add3A_423 : vector<16xf32>
      %select_n3A_425 = arith.select %or3A_421, %add3A_424, %broadcast_in_dim3A_163 : vector<16xi1>, vector<16xf32>
      %add3A_426 = arith.addf %scan3A_118, %select_n3A_425 : vector<16xf32>
      %swap3A_427 = arith.constant 0 : i32
      %swap3A_428 = arith.index_cast %swap3A_427 : i32 to index
      %swap3A_429 = arith.index_cast %mul3A_120 : i32 to index
      %swap3A_430 = tpu.vector_load %arg8[%swap3A_428, %swap3A_429] {strides = array<i32>} : memref<2x256xi32, #tpu.memory_space<vmem>>, vector<1x16xi32>,
      %swap3A_431 = vector.shape_cast %swap3A_430 : vector<1x16xi32> to vector<16xi32>
      %swap3A_432 = vector.shape_cast %select_n3A_253 : vector<16xi32> to vector<1x16xi32>
      tpu.vector_store %arg8[%swap3A_428, %swap3A_429], %swap3A_432 {strides = array<i32>} : memref<2x256xi32, #tpu.memory_space<vmem>>, vector<1x16xi32>,
      %swap3A_433 = arith.constant 1 : i32
      %swap3A_434 = arith.index_cast %swap3A_433 : i32 to index
      %swap3A_435 = arith.index_cast %mul3A_120 : i32 to index
      %swap3A_436 = tpu.vector_load %arg8[%swap3A_434, %swap3A_435] {strides = array<i32>} : memref<2x256xi32, #tpu.memory_space<vmem>>, vector<1x16xi32>,
      %swap3A_437 = vector.shape_cast %swap3A_436 : vector<1x16xi32> to vector<16xi32>
      %swap3A_438 = vector.shape_cast %select_n3A_247 : vector<16xi32> to vector<1x16xi32>
      tpu.vector_store %arg8[%swap3A_434, %swap3A_435], %swap3A_438 {strides = array<i32>} : memref<2x256xi32, #tpu.memory_space<vmem>>, vector<1x16xi32>,
      scf.yield %add3A_274, %add3A_294, %add3A_315, %add3A_336, %add3A_357, %add3A_378, %add3A_399, %add3A_420, %add3A_279, %add3A_300, %add3A_321, %add3A_342, %add3A_363, %add3A_384, %add3A_405, %add3A_426 : vector<16xf32>, vector<16xf32>, vector<16xf32>, vector<16xf32>, vector<16xf32>, vector<16xf32>, vector<16xf32>, vector<16xf32>, vector<16xf32>, vector<16xf32>, vector<16xf32>, vector<16xf32>, vector<16xf32>, vector<16xf32>, vector<16xf32>, vector<16xf32>
    }
    %scan3A_6 = arith.constant 16 : i32
    %swap3A = arith.constant 0 : i32
    %swap3A_7 = arith.index_cast %swap3A : i32 to index
    %swap3A_8 = arith.constant 0 : index
    %swap3A_9 = tpu.vector_load %arg9[%swap3A_7, %swap3A_8] {strides = array<i32>} : memref<16x16xf32, #tpu.memory_space<vmem>>, vector<1x16xf32>,
    %swap3A_10 = vector.shape_cast %swap3A_9 : vector<1x16xf32> to vector<16xf32>
    %swap3A_11 = vector.shape_cast %scan3A_5#0 : vector<16xf32> to vector<1x16xf32>
    tpu.vector_store %arg9[%swap3A_7, %swap3A_8], %swap3A_11 {strides = array<i32>} : memref<16x16xf32, #tpu.memory_space<vmem>>, vector<1x16xf32>,
    %swap3A_12 = arith.constant 8 : i32
    %swap3A_13 = arith.index_cast %swap3A_12 : i32 to index
    %swap3A_14 = arith.constant 0 : index
    %swap3A_15 = tpu.vector_load %arg9[%swap3A_13, %swap3A_14] {strides = array<i32>} : memref<16x16xf32, #tpu.memory_space<vmem>>, vector<1x16xf32>,
    %swap3A_16 = vector.shape_cast %swap3A_15 : vector<1x16xf32> to vector<16xf32>
    %swap3A_17 = vector.shape_cast %scan3A_5#8 : vector<16xf32> to vector<1x16xf32>
    tpu.vector_store %arg9[%swap3A_13, %swap3A_14], %swap3A_17 {strides = array<i32>} : memref<16x16xf32, #tpu.memory_space<vmem>>, vector<1x16xf32>,
    %swap3A_18 = arith.constant 1 : i32
    %swap3A_19 = arith.index_cast %swap3A_18 : i32 to index
    %swap3A_20 = arith.constant 0 : index
    %swap3A_21 = tpu.vector_load %arg9[%swap3A_19, %swap3A_20] {strides = array<i32>} : memref<16x16xf32, #tpu.memory_space<vmem>>, vector<1x16xf32>,
    %swap3A_22 = vector.shape_cast %swap3A_21 : vector<1x16xf32> to vector<16xf32>
    %swap3A_23 = vector.shape_cast %scan3A_5#1 : vector<16xf32> to vector<1x16xf32>
    tpu.vector_store %arg9[%swap3A_19, %swap3A_20], %swap3A_23 {strides = array<i32>} : memref<16x16xf32, #tpu.memory_space<vmem>>, vector<1x16xf32>,
    %swap3A_24 = arith.constant 9 : i32
    %swap3A_25 = arith.index_cast %swap3A_24 : i32 to index
    %swap3A_26 = arith.constant 0 : index
    %swap3A_27 = tpu.vector_load %arg9[%swap3A_25, %swap3A_26] {strides = array<i32>} : memref<16x16xf32, #tpu.memory_space<vmem>>, vector<1x16xf32>,
    %swap3A_28 = vector.shape_cast %swap3A_27 : vector<1x16xf32> to vector<16xf32>
    %swap3A_29 = vector.shape_cast %scan3A_5#9 : vector<16xf32> to vector<1x16xf32>
    tpu.vector_store %arg9[%swap3A_25, %swap3A_26], %swap3A_29 {strides = array<i32>} : memref<16x16xf32, #tpu.memory_space<vmem>>, vector<1x16xf32>,
    %swap3A_30 = arith.constant 2 : i32
    %swap3A_31 = arith.index_cast %swap3A_30 : i32 to index
    %swap3A_32 = arith.constant 0 : index
    %swap3A_33 = tpu.vector_load %arg9[%swap3A_31, %swap3A_32] {strides = array<i32>} : memref<16x16xf32, #tpu.memory_space<vmem>>, vector<1x16xf32>,
    %swap3A_34 = vector.shape_cast %swap3A_33 : vector<1x16xf32> to vector<16xf32>
    %swap3A_35 = vector.shape_cast %scan3A_5#2 : vector<16xf32> to vector<1x16xf32>
    tpu.vector_store %arg9[%swap3A_31, %swap3A_32], %swap3A_35 {strides = array<i32>} : memref<16x16xf32, #tpu.memory_space<vmem>>, vector<1x16xf32>,
    %swap3A_36 = arith.constant 10 : i32
    %swap3A_37 = arith.index_cast %swap3A_36 : i32 to index
    %swap3A_38 = arith.constant 0 : index
    %swap3A_39 = tpu.vector_load %arg9[%swap3A_37, %swap3A_38] {strides = array<i32>} : memref<16x16xf32, #tpu.memory_space<vmem>>, vector<1x16xf32>,
    %swap3A_40 = vector.shape_cast %swap3A_39 : vector<1x16xf32> to vector<16xf32>
    %swap3A_41 = vector.shape_cast %scan3A_5#10 : vector<16xf32> to vector<1x16xf32>
    tpu.vector_store %arg9[%swap3A_37, %swap3A_38], %swap3A_41 {strides = array<i32>} : memref<16x16xf32, #tpu.memory_space<vmem>>, vector<1x16xf32>,
    %swap3A_42 = arith.constant 3 : i32
    %swap3A_43 = arith.index_cast %swap3A_42 : i32 to index
    %swap3A_44 = arith.constant 0 : index
    %swap3A_45 = tpu.vector_load %arg9[%swap3A_43, %swap3A_44] {strides = array<i32>} : memref<16x16xf32, #tpu.memory_space<vmem>>, vector<1x16xf32>,
    %swap3A_46 = vector.shape_cast %swap3A_45 : vector<1x16xf32> to vector<16xf32>
    %swap3A_47 = vector.shape_cast %scan3A_5#3 : vector<16xf32> to vector<1x16xf32>
    tpu.vector_store %arg9[%swap3A_43, %swap3A_44], %swap3A_47 {strides = array<i32>} : memref<16x16xf32, #tpu.memory_space<vmem>>, vector<1x16xf32>,
    %swap3A_48 = arith.constant 11 : i32
    %swap3A_49 = arith.index_cast %swap3A_48 : i32 to index
    %swap3A_50 = arith.constant 0 : index
    %swap3A_51 = tpu.vector_load %arg9[%swap3A_49, %swap3A_50] {strides = array<i32>} : memref<16x16xf32, #tpu.memory_space<vmem>>, vector<1x16xf32>,
    %swap3A_52 = vector.shape_cast %swap3A_51 : vector<1x16xf32> to vector<16xf32>
    %swap3A_53 = vector.shape_cast %scan3A_5#11 : vector<16xf32> to vector<1x16xf32>
    tpu.vector_store %arg9[%swap3A_49, %swap3A_50], %swap3A_53 {strides = array<i32>} : memref<16x16xf32, #tpu.memory_space<vmem>>, vector<1x16xf32>,
    %swap3A_54 = arith.constant 4 : i32
    %swap3A_55 = arith.index_cast %swap3A_54 : i32 to index
    %swap3A_56 = arith.constant 0 : index
    %swap3A_57 = tpu.vector_load %arg9[%swap3A_55, %swap3A_56] {strides = array<i32>} : memref<16x16xf32, #tpu.memory_space<vmem>>, vector<1x16xf32>,
    %swap3A_58 = vector.shape_cast %swap3A_57 : vector<1x16xf32> to vector<16xf32>
    %swap3A_59 = vector.shape_cast %scan3A_5#4 : vector<16xf32> to vector<1x16xf32>
    tpu.vector_store %arg9[%swap3A_55, %swap3A_56], %swap3A_59 {strides = array<i32>} : memref<16x16xf32, #tpu.memory_space<vmem>>, vector<1x16xf32>,
    %swap3A_60 = arith.constant 12 : i32
    %swap3A_61 = arith.index_cast %swap3A_60 : i32 to index
    %swap3A_62 = arith.constant 0 : index
    %swap3A_63 = tpu.vector_load %arg9[%swap3A_61, %swap3A_62] {strides = array<i32>} : memref<16x16xf32, #tpu.memory_space<vmem>>, vector<1x16xf32>,
    %swap3A_64 = vector.shape_cast %swap3A_63 : vector<1x16xf32> to vector<16xf32>
    %swap3A_65 = vector.shape_cast %scan3A_5#12 : vector<16xf32> to vector<1x16xf32>
    tpu.vector_store %arg9[%swap3A_61, %swap3A_62], %swap3A_65 {strides = array<i32>} : memref<16x16xf32, #tpu.memory_space<vmem>>, vector<1x16xf32>,
    %swap3A_66 = arith.constant 5 : i32
    %swap3A_67 = arith.index_cast %swap3A_66 : i32 to index
    %swap3A_68 = arith.constant 0 : index
    %swap3A_69 = tpu.vector_load %arg9[%swap3A_67, %swap3A_68] {strides = array<i32>} : memref<16x16xf32, #tpu.memory_space<vmem>>, vector<1x16xf32>,
    %swap3A_70 = vector.shape_cast %swap3A_69 : vector<1x16xf32> to vector<16xf32>
    %swap3A_71 = vector.shape_cast %scan3A_5#5 : vector<16xf32> to vector<1x16xf32>
    tpu.vector_store %arg9[%swap3A_67, %swap3A_68], %swap3A_71 {strides = array<i32>} : memref<16x16xf32, #tpu.memory_space<vmem>>, vector<1x16xf32>,
    %swap3A_72 = arith.constant 13 : i32
    %swap3A_73 = arith.index_cast %swap3A_72 : i32 to index
    %swap3A_74 = arith.constant 0 : index
    %swap3A_75 = tpu.vector_load %arg9[%swap3A_73, %swap3A_74] {strides = array<i32>} : memref<16x16xf32, #tpu.memory_space<vmem>>, vector<1x16xf32>,
    %swap3A_76 = vector.shape_cast %swap3A_75 : vector<1x16xf32> to vector<16xf32>
    %swap3A_77 = vector.shape_cast %scan3A_5#13 : vector<16xf32> to vector<1x16xf32>
    tpu.vector_store %arg9[%swap3A_73, %swap3A_74], %swap3A_77 {strides = array<i32>} : memref<16x16xf32, #tpu.memory_space<vmem>>, vector<1x16xf32>,
    %swap3A_78 = arith.constant 6 : i32
    %swap3A_79 = arith.index_cast %swap3A_78 : i32 to index
    %swap3A_80 = arith.constant 0 : index
    %swap3A_81 = tpu.vector_load %arg9[%swap3A_79, %swap3A_80] {strides = array<i32>} : memref<16x16xf32, #tpu.memory_space<vmem>>, vector<1x16xf32>,
    %swap3A_82 = vector.shape_cast %swap3A_81 : vector<1x16xf32> to vector<16xf32>
    %swap3A_83 = vector.shape_cast %scan3A_5#6 : vector<16xf32> to vector<1x16xf32>
    tpu.vector_store %arg9[%swap3A_79, %swap3A_80], %swap3A_83 {strides = array<i32>} : memref<16x16xf32, #tpu.memory_space<vmem>>, vector<1x16xf32>,
    %swap3A_84 = arith.constant 14 : i32
    %swap3A_85 = arith.index_cast %swap3A_84 : i32 to index
    %swap3A_86 = arith.constant 0 : index
    %swap3A_87 = tpu.vector_load %arg9[%swap3A_85, %swap3A_86] {strides = array<i32>} : memref<16x16xf32, #tpu.memory_space<vmem>>, vector<1x16xf32>,
    %swap3A_88 = vector.shape_cast %swap3A_87 : vector<1x16xf32> to vector<16xf32>
    %swap3A_89 = vector.shape_cast %scan3A_5#14 : vector<16xf32> to vector<1x16xf32>
    tpu.vector_store %arg9[%swap3A_85, %swap3A_86], %swap3A_89 {strides = array<i32>} : memref<16x16xf32, #tpu.memory_space<vmem>>, vector<1x16xf32>,
    %swap3A_90 = arith.constant 7 : i32
    %swap3A_91 = arith.index_cast %swap3A_90 : i32 to index
    %swap3A_92 = arith.constant 0 : index
    %swap3A_93 = tpu.vector_load %arg9[%swap3A_91, %swap3A_92] {strides = array<i32>} : memref<16x16xf32, #tpu.memory_space<vmem>>, vector<1x16xf32>,
    %swap3A_94 = vector.shape_cast %swap3A_93 : vector<1x16xf32> to vector<16xf32>
    %swap3A_95 = vector.shape_cast %scan3A_5#7 : vector<16xf32> to vector<1x16xf32>
    tpu.vector_store %arg9[%swap3A_91, %swap3A_92], %swap3A_95 {strides = array<i32>} : memref<16x16xf32, #tpu.memory_space<vmem>>, vector<1x16xf32>,
    %swap3A_96 = arith.constant 15 : i32
    %swap3A_97 = arith.index_cast %swap3A_96 : i32 to index
    %swap3A_98 = arith.constant 0 : index
    %swap3A_99 = tpu.vector_load %arg9[%swap3A_97, %swap3A_98] {strides = array<i32>} : memref<16x16xf32, #tpu.memory_space<vmem>>, vector<1x16xf32>,
    %swap3A_100 = vector.shape_cast %swap3A_99 : vector<1x16xf32> to vector<16xf32>
    %swap3A_101 = vector.shape_cast %scan3A_5#15 : vector<16xf32> to vector<1x16xf32>
    tpu.vector_store %arg9[%swap3A_97, %swap3A_98], %swap3A_101 {strides = array<i32>} : memref<16x16xf32, #tpu.memory_space<vmem>>, vector<1x16xf32>,
    "tpu.region"() ({
      %run_scoped3A = tpu.sem_alloc : memref<!tpu.dma_semaphore, #tpu.memory_space<semaphore_mem>>
      %dma_start3A = arith.constant 0 : i32
      %dma_start3A_102 = arith.constant 0 : i32
      %dma_start3A_103 = tpu.memref_slice %arg3[%add3A, %dma_start3A, %dma_start3A_102] : memref<32x8x256xf32, #tpu.memory_space<hbm>> -> memref<1x8x256xf32, #tpu.memory_space<hbm>>
      %dma_start3A_104 = tpu.memref_squeeze %dma_start3A_103 : memref<1x8x256xf32, #tpu.memory_space<hbm>> -> memref<8x256xf32, #tpu.memory_space<hbm>>
      %dma_start3A_105 = arith.constant 0 : i32
      %dma_start3A_106 = arith.constant 0 : i32
      %dma_start3A_107 = tpu.memref_slice %arg3[%add3A, %dma_start3A_105, %dma_start3A_106] : memref<32x8x256xf32, #tpu.memory_space<hbm>> -> memref<1x8x256xf32, #tpu.memory_space<hbm>>
      %dma_start3A_108 = tpu.memref_squeeze %dma_start3A_107 : memref<1x8x256xf32, #tpu.memory_space<hbm>> -> memref<8x256xf32, #tpu.memory_space<hbm>>
      tpu.enqueue_dma source(%arg7 : memref<8x256xf32, #tpu.memory_space<vmem>>) target(%dma_start3A_108 : memref<8x256xf32, #tpu.memory_space<hbm>>) target_semaphore(%run_scoped3A : memref<!tpu.dma_semaphore, #tpu.memory_space<semaphore_mem>>)
      %dma_wait3A = arith.constant 0 : i32
      %dma_wait3A_109 = arith.constant 0 : i32
      %dma_wait3A_110 = tpu.memref_slice %arg3[%add3A, %dma_wait3A, %dma_wait3A_109] : memref<32x8x256xf32, #tpu.memory_space<hbm>> -> memref<1x8x256xf32, #tpu.memory_space<hbm>>
      %dma_wait3A_111 = tpu.memref_squeeze %dma_wait3A_110 : memref<1x8x256xf32, #tpu.memory_space<hbm>> -> memref<8x256xf32, #tpu.memory_space<hbm>>
      %dma_wait3A_112 = arith.constant 0 : i32
      %dma_wait3A_113 = arith.constant 0 : i32
      %dma_wait3A_114 = tpu.memref_slice %arg3[%add3A, %dma_wait3A_112, %dma_wait3A_113] : memref<32x8x256xf32, #tpu.memory_space<hbm>> -> memref<1x8x256xf32, #tpu.memory_space<hbm>>
      %dma_wait3A_115 = tpu.memref_squeeze %dma_wait3A_114 : memref<1x8x256xf32, #tpu.memory_space<hbm>> -> memref<8x256xf32, #tpu.memory_space<hbm>>
      tpu.wait_dma2 semaphore(%run_scoped3A : memref<!tpu.dma_semaphore, #tpu.memory_space<semaphore_mem>>) src(%arg7 : memref<8x256xf32, #tpu.memory_space<vmem>>) dst(%dma_wait3A_115 : memref<8x256xf32, #tpu.memory_space<hbm>>)
      tpu.yield
    }) : () -> ()
    "tpu.region"() ({
      %run_scoped3A = tpu.sem_alloc : memref<!tpu.dma_semaphore, #tpu.memory_space<semaphore_mem>>
      %dma_start3A = arith.constant 0 : i32
      %dma_start3A_102 = arith.constant 0 : i32
      %dma_start3A_103 = tpu.memref_slice %arg4[%add3A, %dma_start3A, %dma_start3A_102] : memref<32x2x256xi32, #tpu.memory_space<hbm>> -> memref<1x2x256xi32, #tpu.memory_space<hbm>>
      %dma_start3A_104 = tpu.memref_squeeze %dma_start3A_103 : memref<1x2x256xi32, #tpu.memory_space<hbm>> -> memref<2x256xi32, #tpu.memory_space<hbm>>
      %dma_start3A_105 = arith.constant 0 : i32
      %dma_start3A_106 = arith.constant 0 : i32
      %dma_start3A_107 = tpu.memref_slice %arg4[%add3A, %dma_start3A_105, %dma_start3A_106] : memref<32x2x256xi32, #tpu.memory_space<hbm>> -> memref<1x2x256xi32, #tpu.memory_space<hbm>>
      %dma_start3A_108 = tpu.memref_squeeze %dma_start3A_107 : memref<1x2x256xi32, #tpu.memory_space<hbm>> -> memref<2x256xi32, #tpu.memory_space<hbm>>
      tpu.enqueue_dma source(%arg8 : memref<2x256xi32, #tpu.memory_space<vmem>>) target(%dma_start3A_108 : memref<2x256xi32, #tpu.memory_space<hbm>>) target_semaphore(%run_scoped3A : memref<!tpu.dma_semaphore, #tpu.memory_space<semaphore_mem>>)
      %dma_wait3A = arith.constant 0 : i32
      %dma_wait3A_109 = arith.constant 0 : i32
      %dma_wait3A_110 = tpu.memref_slice %arg4[%add3A, %dma_wait3A, %dma_wait3A_109] : memref<32x2x256xi32, #tpu.memory_space<hbm>> -> memref<1x2x256xi32, #tpu.memory_space<hbm>>
      %dma_wait3A_111 = tpu.memref_squeeze %dma_wait3A_110 : memref<1x2x256xi32, #tpu.memory_space<hbm>> -> memref<2x256xi32, #tpu.memory_space<hbm>>
      %dma_wait3A_112 = arith.constant 0 : i32
      %dma_wait3A_113 = arith.constant 0 : i32
      %dma_wait3A_114 = tpu.memref_slice %arg4[%add3A, %dma_wait3A_112, %dma_wait3A_113] : memref<32x2x256xi32, #tpu.memory_space<hbm>> -> memref<1x2x256xi32, #tpu.memory_space<hbm>>
      %dma_wait3A_115 = tpu.memref_squeeze %dma_wait3A_114 : memref<1x2x256xi32, #tpu.memory_space<hbm>> -> memref<2x256xi32, #tpu.memory_space<hbm>>
      tpu.wait_dma2 semaphore(%run_scoped3A : memref<!tpu.dma_semaphore, #tpu.memory_space<semaphore_mem>>) src(%arg8 : memref<2x256xi32, #tpu.memory_space<vmem>>) dst(%dma_wait3A_115 : memref<2x256xi32, #tpu.memory_space<hbm>>)
      tpu.yield
    }) : () -> ()
    "tpu.region"() ({
      %run_scoped3A = tpu.sem_alloc : memref<!tpu.dma_semaphore, #tpu.memory_space<semaphore_mem>>
      %dma_start3A = arith.constant 0 : i32
      %dma_start3A_102 = arith.constant 0 : i32
      %dma_start3A_103 = tpu.memref_slice %arg5[%add3A, %dma_start3A, %dma_start3A_102] : memref<32x16x16xf32, #tpu.memory_space<hbm>> -> memref<1x16x16xf32, #tpu.memory_space<hbm>>
      %dma_start3A_104 = tpu.memref_squeeze %dma_start3A_103 : memref<1x16x16xf32, #tpu.memory_space<hbm>> -> memref<16x16xf32, #tpu.memory_space<hbm>>
      %dma_start3A_105 = arith.constant 0 : i32
      %dma_start3A_106 = arith.constant 0 : i32
      %dma_start3A_107 = tpu.memref_slice %arg5[%add3A, %dma_start3A_105, %dma_start3A_106] : memref<32x16x16xf32, #tpu.memory_space<hbm>> -> memref<1x16x16xf32, #tpu.memory_space<hbm>>
      %dma_start3A_108 = tpu.memref_squeeze %dma_start3A_107 : memref<1x16x16xf32, #tpu.memory_space<hbm>> -> memref<16x16xf32, #tpu.memory_space<hbm>>
      tpu.enqueue_dma source(%arg9 : memref<16x16xf32, #tpu.memory_space<vmem>>) target(%dma_start3A_108 : memref<16x16xf32, #tpu.memory_space<hbm>>) target_semaphore(%run_scoped3A : memref<!tpu.dma_semaphore, #tpu.memory_space<semaphore_mem>>)
      %dma_wait3A = arith.constant 0 : i32
      %dma_wait3A_109 = arith.constant 0 : i32
      %dma_wait3A_110 = tpu.memref_slice %arg5[%add3A, %dma_wait3A, %dma_wait3A_109] : memref<32x16x16xf32, #tpu.memory_space<hbm>> -> memref<1x16x16xf32, #tpu.memory_space<hbm>>
      %dma_wait3A_111 = tpu.memref_squeeze %dma_wait3A_110 : memref<1x16x16xf32, #tpu.memory_space<hbm>> -> memref<16x16xf32, #tpu.memory_space<hbm>>
      %dma_wait3A_112 = arith.constant 0 : i32
      %dma_wait3A_113 = arith.constant 0 : i32
      %dma_wait3A_114 = tpu.memref_slice %arg5[%add3A, %dma_wait3A_112, %dma_wait3A_113] : memref<32x16x16xf32, #tpu.memory_space<hbm>> -> memref<1x16x16xf32, #tpu.memory_space<hbm>>
      %dma_wait3A_115 = tpu.memref_squeeze %dma_wait3A_114 : memref<1x16x16xf32, #tpu.memory_space<hbm>> -> memref<16x16xf32, #tpu.memory_space<hbm>>
      tpu.wait_dma2 semaphore(%run_scoped3A : memref<!tpu.dma_semaphore, #tpu.memory_space<semaphore_mem>>) src(%arg9 : memref<16x16xf32, #tpu.memory_space<vmem>>) dst(%dma_wait3A_115 : memref<16x16xf32, #tpu.memory_space<hbm>>)
      tpu.yield
    }) : () -> ()
    return
  }
}

#map = affine_map<(d0, d1) -> (0, 0, 0)>
module attributes {stable_mosaic.version = 14 : i64} {
  func.func @_route_sc(%arg0: i32, %arg1: i32, %arg2: memref<32x8x256xf32, #tpu.memory_space<hbm>>, %arg3: memref<32x8x256xf32, #tpu.memory_space<hbm>>, %arg4: memref<32x2x256xi32, #tpu.memory_space<hbm>>, %arg5: memref<32x16x16xf32, #tpu.memory_space<hbm>>, %arg6: memref<8x256xf32, #tpu.memory_space<vmem>>, %arg7: memref<8x256xf32, #tpu.memory_space<vmem>>, %arg8: memref<2x256xi32, #tpu.memory_space<vmem>>, %arg9: memref<16x16xf32, #tpu.memory_space<vmem>>) attributes {dimension_semantics = [#tpu.dimension_semantics<core_parallel>, #tpu.dimension_semantics<subcore_parallel>], iteration_bounds = array<i64: 2, 16>, scalar_prefetch = 0 : i64, scratch_operands = 4 : i64, tpu.core_type = #tpu.core_type<sc_vector_subcore>, window_params = [{transform_indices = #map}, {transform_indices = #map}, {transform_indices = #map}, {transform_indices = #map}]} {
    %mul3A = arith.constant 2 : i32
    %mul3A_0 = arith.muli %arg1, %mul3A : i32
    %add3A = arith.addi %mul3A_0, %arg0 : i32
    "tpu.region"() ({
      %run_scoped3A = tpu.sem_alloc : memref<!tpu.dma_semaphore, #tpu.memory_space<semaphore_mem>>
      %dma_start3A = arith.constant 0 : i32
      %dma_start3A_102 = arith.constant 0 : i32
      %dma_start3A_103 = tpu.memref_slice %arg2[%add3A, %dma_start3A, %dma_start3A_102] : memref<32x8x256xf32, #tpu.memory_space<hbm>> -> memref<1x8x256xf32, #tpu.memory_space<hbm>>
      %dma_start3A_104 = tpu.memref_squeeze %dma_start3A_103 : memref<1x8x256xf32, #tpu.memory_space<hbm>> -> memref<8x256xf32, #tpu.memory_space<hbm>>
      %dma_start3A_105 = arith.constant 0 : i32
      %dma_start3A_106 = arith.constant 0 : i32
      %dma_start3A_107 = tpu.memref_slice %arg2[%add3A, %dma_start3A_105, %dma_start3A_106] : memref<32x8x256xf32, #tpu.memory_space<hbm>> -> memref<1x8x256xf32, #tpu.memory_space<hbm>>
      %dma_start3A_108 = tpu.memref_squeeze %dma_start3A_107 : memref<1x8x256xf32, #tpu.memory_space<hbm>> -> memref<8x256xf32, #tpu.memory_space<hbm>>
      tpu.enqueue_dma source(%dma_start3A_108 : memref<8x256xf32, #tpu.memory_space<hbm>>) target(%arg6 : memref<8x256xf32, #tpu.memory_space<vmem>>) target_semaphore(%run_scoped3A : memref<!tpu.dma_semaphore, #tpu.memory_space<semaphore_mem>>)
      %dma_wait3A = arith.constant 0 : i32
      %dma_wait3A_109 = arith.constant 0 : i32
      %dma_wait3A_110 = tpu.memref_slice %arg2[%add3A, %dma_wait3A, %dma_wait3A_109] : memref<32x8x256xf32, #tpu.memory_space<hbm>> -> memref<1x8x256xf32, #tpu.memory_space<hbm>>
      %dma_wait3A_111 = tpu.memref_squeeze %dma_wait3A_110 : memref<1x8x256xf32, #tpu.memory_space<hbm>> -> memref<8x256xf32, #tpu.memory_space<hbm>>
      %dma_wait3A_112 = arith.constant 0 : i32
      %dma_wait3A_113 = arith.constant 0 : i32
      %dma_wait3A_114 = tpu.memref_slice %arg2[%add3A, %dma_wait3A_112, %dma_wait3A_113] : memref<32x8x256xf32, #tpu.memory_space<hbm>> -> memref<1x8x256xf32, #tpu.memory_space<hbm>>
      %dma_wait3A_115 = tpu.memref_squeeze %dma_wait3A_114 : memref<1x8x256xf32, #tpu.memory_space<hbm>> -> memref<8x256xf32, #tpu.memory_space<hbm>>
      tpu.wait_dma2 semaphore(%run_scoped3A : memref<!tpu.dma_semaphore, #tpu.memory_space<semaphore_mem>>) src(%dma_wait3A_115 : memref<8x256xf32, #tpu.memory_space<hbm>>) dst(%arg6 : memref<8x256xf32, #tpu.memory_space<vmem>>)
      tpu.yield
    }) : () -> ()
    %broadcast_in_dim3A = arith.constant 0.000000e+00 : f32
    %broadcast_in_dim3A_1 = vector.broadcast %broadcast_in_dim3A : f32 to vector<16xf32>
    %scan3A = arith.constant 0 : i32
    %scan3A_2 = arith.constant 16 : i32
    %scan3A_3 = arith.addi %scan3A, %scan3A_2 : i32
    %scan3A_4 = arith.constant 1 : i32
    %scan3A_5:16 = scf.for %scan3A_102 = %scan3A to %scan3A_3 step %scan3A_4 iter_args(%scan3A_103 = %broadcast_in_dim3A_1, %scan3A_104 = %broadcast_in_dim3A_1, %scan3A_105 = %broadcast_in_dim3A_1, %scan3A_106 = %broadcast_in_dim3A_1, %scan3A_107 = %broadcast_in_dim3A_1, %scan3A_108 = %broadcast_in_dim3A_1, %scan3A_109 = %broadcast_in_dim3A_1, %scan3A_110 = %broadcast_in_dim3A_1, %scan3A_111 = %broadcast_in_dim3A_1, %scan3A_112 = %broadcast_in_dim3A_1, %scan3A_113 = %broadcast_in_dim3A_1, %scan3A_114 = %broadcast_in_dim3A_1, %scan3A_115 = %broadcast_in_dim3A_1, %scan3A_116 = %broadcast_in_dim3A_1, %scan3A_117 = %broadcast_in_dim3A_1, %scan3A_118 = %broadcast_in_dim3A_1) -> (vector<16xf32>, vector<16xf32>, vector<16xf32>, vector<16xf32>, vector<16xf32>, vector<16xf32>, vector<16xf32>, vector<16xf32>, vector<16xf32>, vector<16xf32>, vector<16xf32>, vector<16xf32>, vector<16xf32>, vector<16xf32>, vector<16xf32>, vector<16xf32>)  : i32 {
      %mul3A_119 = arith.constant 16 : i32
      %mul3A_120 = arith.muli %scan3A_102, %mul3A_119 : i32
      %get3A = arith.constant 0 : i32
      %get3A_121 = arith.index_cast %get3A : i32 to index
      %get3A_122 = arith.index_cast %mul3A_120 : i32 to index
      %get3A_123 = tpu.vector_load %arg6[%get3A_121, %get3A_122] {strides = array<i32>} : memref<8x256xf32, #tpu.memory_space<vmem>>, vector<1x16xf32>,
      %get3A_124 = vector.shape_cast %get3A_123 : vector<1x16xf32> to vector<16xf32>
      %get3A_125 = arith.constant 1 : i32
      %get3A_126 = arith.index_cast %get3A_125 : i32 to index
      %get3A_127 = arith.index_cast %mul3A_120 : i32 to index
      %get3A_128 = tpu.vector_load %arg6[%get3A_126, %get3A_127] {strides = array<i32>} : memref<8x256xf32, #tpu.memory_space<vmem>>, vector<1x16xf32>,
      %get3A_129 = vector.shape_cast %get3A_128 : vector<1x16xf32> to vector<16xf32>
      %get3A_130 = arith.constant 2 : i32
      %get3A_131 = arith.index_cast %get3A_130 : i32 to index
      %get3A_132 = arith.index_cast %mul3A_120 : i32 to index
      %get3A_133 = tpu.vector_load %arg6[%get3A_131, %get3A_132] {strides = array<i32>} : memref<8x256xf32, #tpu.memory_space<vmem>>, vector<1x16xf32>,
      %get3A_134 = vector.shape_cast %get3A_133 : vector<1x16xf32> to vector<16xf32>
      %get3A_135 = arith.constant 3 : i32
      %get3A_136 = arith.index_cast %get3A_135 : i32 to index
      %get3A_137 = arith.index_cast %mul3A_120 : i32 to index
      %get3A_138 = tpu.vector_load %arg6[%get3A_136, %get3A_137] {strides = array<i32>} : memref<8x256xf32, #tpu.memory_space<vmem>>, vector<1x16xf32>,
      %get3A_139 = vector.shape_cast %get3A_138 : vector<1x16xf32> to vector<16xf32>
      %get3A_140 = arith.constant 4 : i32
      %get3A_141 = arith.index_cast %get3A_140 : i32 to index
      %get3A_142 = arith.index_cast %mul3A_120 : i32 to index
      %get3A_143 = tpu.vector_load %arg6[%get3A_141, %get3A_142] {strides = array<i32>} : memref<8x256xf32, #tpu.memory_space<vmem>>, vector<1x16xf32>,
      %get3A_144 = vector.shape_cast %get3A_143 : vector<1x16xf32> to vector<16xf32>
      %get3A_145 = arith.constant 5 : i32
      %get3A_146 = arith.index_cast %get3A_145 : i32 to index
      %get3A_147 = arith.index_cast %mul3A_120 : i32 to index
      %get3A_148 = tpu.vector_load %arg6[%get3A_146, %get3A_147] {strides = array<i32>} : memref<8x256xf32, #tpu.memory_space<vmem>>, vector<1x16xf32>,
      %get3A_149 = vector.shape_cast %get3A_148 : vector<1x16xf32> to vector<16xf32>
      %get3A_150 = arith.constant 6 : i32
      %get3A_151 = arith.index_cast %get3A_150 : i32 to index
      %get3A_152 = arith.index_cast %mul3A_120 : i32 to index
      %get3A_153 = tpu.vector_load %arg6[%get3A_151, %get3A_152] {strides = array<i32>} : memref<8x256xf32, #tpu.memory_space<vmem>>, vector<1x16xf32>,
      %get3A_154 = vector.shape_cast %get3A_153 : vector<1x16xf32> to vector<16xf32>
      %get3A_155 = arith.constant 7 : i32
      %get3A_156 = arith.index_cast %get3A_155 : i32 to index
      %get3A_157 = arith.index_cast %mul3A_120 : i32 to index
      %get3A_158 = tpu.vector_load %arg6[%get3A_156, %get3A_157] {strides = array<i32>} : memref<8x256xf32, #tpu.memory_space<vmem>>, vector<1x16xf32>,
      %get3A_159 = vector.shape_cast %get3A_158 : vector<1x16xf32> to vector<16xf32>
      %broadcast_in_dim3A_160 = arith.constant 0 : i32
      %broadcast_in_dim3A_161 = vector.broadcast %broadcast_in_dim3A_160 : i32 to vector<16xi32>
      %broadcast_in_dim3A_162 = arith.constant 0.000000e+00 : f32
      %broadcast_in_dim3A_163 = vector.broadcast %broadcast_in_dim3A_162 : f32 to vector<16xf32>
      %gt3A = arith.cmpf ogt, %get3A_129, %get3A_124 : vector<16xf32>
      %max3A = arith.maximumf %get3A_124, %get3A_129 : vector<16xf32>
      %min3A = arith.minimumf %get3A_124, %get3A_129 : vector<16xf32>
      %add3A_164 = arith.constant 1 : i32
      %add3A_165 = vector.broadcast %add3A_164 : i32 to vector<16xi32>
      %add3A_166 = arith.addi %broadcast_in_dim3A_161, %add3A_165 : vector<16xi32>
      %select_n3A = arith.select %gt3A, %add3A_166, %broadcast_in_dim3A_161 : vector<16xi1>, vector<16xi32>
      %add3A_167 = arith.constant 1 : i32
      %add3A_168 = vector.broadcast %add3A_167 : i32 to vector<16xi32>
      %add3A_169 = arith.addi %broadcast_in_dim3A_161, %add3A_168 : vector<16xi32>
      %select_n3A_170 = arith.select %gt3A, %broadcast_in_dim3A_161, %add3A_169 : vector<16xi1>, vector<16xi32>
      %gt3A_171 = arith.cmpf ogt, %get3A_134, %max3A : vector<16xf32>
      %gt3A_172 = arith.cmpf ogt, %get3A_134, %min3A : vector<16xf32>
      %add3A_173 = arith.constant 2 : i32
      %add3A_174 = vector.broadcast %add3A_173 : i32 to vector<16xi32>
      %add3A_175 = arith.addi %broadcast_in_dim3A_161, %add3A_174 : vector<16xi32>
      %select_n3A_176 = arith.select %gt3A_172, %add3A_175, %select_n3A_170 : vector<16xi1>, vector<16xi32>
      %select_n3A_177 = arith.select %gt3A_171, %select_n3A, %select_n3A_176 : vector<16xi1>, vector<16xi32>
      %select_n3A_178 = arith.select %gt3A_172, %get3A_134, %min3A : vector<16xi1>, vector<16xf32>
      %select_n3A_179 = arith.select %gt3A_171, %max3A, %select_n3A_178 : vector<16xi1>, vector<16xf32>
      %add3A_180 = arith.constant 2 : i32
      %add3A_181 = vector.broadcast %add3A_180 : i32 to vector<16xi32>
      %add3A_182 = arith.addi %broadcast_in_dim3A_161, %add3A_181 : vector<16xi32>
      %select_n3A_183 = arith.select %gt3A_171, %add3A_182, %select_n3A : vector<16xi1>, vector<16xi32>
      %select_n3A_184 = arith.select %gt3A_171, %get3A_134, %max3A : vector<16xi1>, vector<16xf32>
      %gt3A_185 = arith.cmpf ogt, %get3A_139, %select_n3A_184 : vector<16xf32>
      %gt3A_186 = arith.cmpf ogt, %get3A_139, %select_n3A_179 : vector<16xf32>
      %add3A_187 = arith.constant 3 : i32
      %add3A_188 = vector.broadcast %add3A_187 : i32 to vector<16xi32>
      %add3A_189 = arith.addi %broadcast_in_dim3A_161, %add3A_188 : vector<16xi32>
      %select_n3A_190 = arith.select %gt3A_186, %add3A_189, %select_n3A_177 : vector<16xi1>, vector<16xi32>
      %select_n3A_191 = arith.select %gt3A_185, %select_n3A_183, %select_n3A_190 : vector<16xi1>, vector<16xi32>
      %select_n3A_192 = arith.select %gt3A_186, %get3A_139, %select_n3A_179 : vector<16xi1>, vector<16xf32>
      %select_n3A_193 = arith.select %gt3A_185, %select_n3A_184, %select_n3A_192 : vector<16xi1>, vector<16xf32>
      %add3A_194 = arith.constant 3 : i32
      %add3A_195 = vector.broadcast %add3A_194 : i32 to vector<16xi32>
      %add3A_196 = arith.addi %broadcast_in_dim3A_161, %add3A_195 : vector<16xi32>
      %select_n3A_197 = arith.select %gt3A_185, %add3A_196, %select_n3A_183 : vector<16xi1>, vector<16xi32>
      %select_n3A_198 = arith.select %gt3A_185, %get3A_139, %select_n3A_184 : vector<16xi1>, vector<16xf32>
      %gt3A_199 = arith.cmpf ogt, %get3A_144, %select_n3A_198 : vector<16xf32>
      %gt3A_200 = arith.cmpf ogt, %get3A_144, %select_n3A_193 : vector<16xf32>
      %add3A_201 = arith.constant 4 : i32
      %add3A_202 = vector.broadcast %add3A_201 : i32 to vector<16xi32>
      %add3A_203 = arith.addi %broadcast_in_dim3A_161, %add3A_202 : vector<16xi32>
      %select_n3A_204 = arith.select %gt3A_200, %add3A_203, %select_n3A_191 : vector<16xi1>, vector<16xi32>
      %select_n3A_205 = arith.select %gt3A_199, %select_n3A_197, %select_n3A_204 : vector<16xi1>, vector<16xi32>
      %select_n3A_206 = arith.select %gt3A_200, %get3A_144, %select_n3A_193 : vector<16xi1>, vector<16xf32>
      %select_n3A_207 = arith.select %gt3A_199, %select_n3A_198, %select_n3A_206 : vector<16xi1>, vector<16xf32>
      %add3A_208 = arith.constant 4 : i32
      %add3A_209 = vector.broadcast %add3A_208 : i32 to vector<16xi32>
      %add3A_210 = arith.addi %broadcast_in_dim3A_161, %add3A_209 : vector<16xi32>
      %select_n3A_211 = arith.select %gt3A_199, %add3A_210, %select_n3A_197 : vector<16xi1>, vector<16xi32>
      %select_n3A_212 = arith.select %gt3A_199, %get3A_144, %select_n3A_198 : vector<16xi1>, vector<16xf32>
      %gt3A_213 = arith.cmpf ogt, %get3A_149, %select_n3A_212 : vector<16xf32>
      %gt3A_214 = arith.cmpf ogt, %get3A_149, %select_n3A_207 : vector<16xf32>
      %add3A_215 = arith.constant 5 : i32
      %add3A_216 = vector.broadcast %add3A_215 : i32 to vector<16xi32>
      %add3A_217 = arith.addi %broadcast_in_dim3A_161, %add3A_216 : vector<16xi32>
      %select_n3A_218 = arith.select %gt3A_214, %add3A_217, %select_n3A_205 : vector<16xi1>, vector<16xi32>
      %select_n3A_219 = arith.select %gt3A_213, %select_n3A_211, %select_n3A_218 : vector<16xi1>, vector<16xi32>
      %select_n3A_220 = arith.select %gt3A_214, %get3A_149, %select_n3A_207 : vector<16xi1>, vector<16xf32>
      %select_n3A_221 = arith.select %gt3A_213, %select_n3A_212, %select_n3A_220 : vector<16xi1>, vector<16xf32>
      %add3A_222 = arith.constant 5 : i32
      %add3A_223 = vector.broadcast %add3A_222 : i32 to vector<16xi32>
      %add3A_224 = arith.addi %broadcast_in_dim3A_161, %add3A_223 : vector<16xi32>
      %select_n3A_225 = arith.select %gt3A_213, %add3A_224, %select_n3A_211 : vector<16xi1>, vector<16xi32>
      %select_n3A_226 = arith.select %gt3A_213, %get3A_149, %select_n3A_212 : vector<16xi1>, vector<16xf32>
      %gt3A_227 = arith.cmpf ogt, %get3A_154, %select_n3A_226 : vector<16xf32>
      %gt3A_228 = arith.cmpf ogt, %get3A_154, %select_n3A_221 : vector<16xf32>
      %add3A_229 = arith.constant 6 : i32
      %add3A_230 = vector.broadcast %add3A_229 : i32 to vector<16xi32>
      %add3A_231 = arith.addi %broadcast_in_dim3A_161, %add3A_230 : vector<16xi32>
      %select_n3A_232 = arith.select %gt3A_228, %add3A_231, %select_n3A_219 : vector<16xi1>, vector<16xi32>
      %select_n3A_233 = arith.select %gt3A_227, %select_n3A_225, %select_n3A_232 : vector<16xi1>, vector<16xi32>
      %select_n3A_234 = arith.select %gt3A_228, %get3A_154, %select_n3A_221 : vector<16xi1>, vector<16xf32>
      %select_n3A_235 = arith.select %gt3A_227, %select_n3A_226, %select_n3A_234 : vector<16xi1>, vector<16xf32>
      %add3A_236 = arith.constant 6 : i32
      %add3A_237 = vector.broadcast %add3A_236 : i32 to vector<16xi32>
      %add3A_238 = arith.addi %broadcast_in_dim3A_161, %add3A_237 : vector<16xi32>
      %select_n3A_239 = arith.select %gt3A_227, %add3A_238, %select_n3A_225 : vector<16xi1>, vector<16xi32>
      %select_n3A_240 = arith.select %gt3A_227, %get3A_154, %select_n3A_226 : vector<16xi1>, vector<16xf32>
      %gt3A_241 = arith.cmpf ogt, %get3A_159, %select_n3A_240 : vector<16xf32>
      %gt3A_242 = arith.cmpf ogt, %get3A_159, %select_n3A_235 : vector<16xf32>
      %add3A_243 = arith.constant 7 : i32
      %add3A_244 = vector.broadcast %add3A_243 : i32 to vector<16xi32>
      %add3A_245 = arith.addi %broadcast_in_dim3A_161, %add3A_244 : vector<16xi32>
      %select_n3A_246 = arith.select %gt3A_242, %add3A_245, %select_n3A_233 : vector<16xi1>, vector<16xi32>
      %select_n3A_247 = arith.select %gt3A_241, %select_n3A_239, %select_n3A_246 : vector<16xi1>, vector<16xi32>
      %select_n3A_248 = arith.select %gt3A_242, %get3A_159, %select_n3A_235 : vector<16xi1>, vector<16xf32>
      %select_n3A_249 = arith.select %gt3A_241, %select_n3A_240, %select_n3A_248 : vector<16xi1>, vector<16xf32>
      %add3A_250 = arith.constant 7 : i32
      %add3A_251 = vector.broadcast %add3A_250 : i32 to vector<16xi32>
      %add3A_252 = arith.addi %broadcast_in_dim3A_161, %add3A_251 : vector<16xi32>
      %select_n3A_253 = arith.select %gt3A_241, %add3A_252, %select_n3A_239 : vector<16xi1>, vector<16xi32>
      %select_n3A_254 = arith.select %gt3A_241, %get3A_159, %select_n3A_240 : vector<16xi1>, vector<16xf32>
      %sub3A = arith.subf %select_n3A_249, %select_n3A_254 : vector<16xf32>
      %exp3A = math.exp %sub3A : vector<16xf32>
      %add3A_255 = arith.constant 1.000000e+00 : f32
      %add3A_256 = vector.broadcast %add3A_255 : f32 to vector<16xf32>
      %add3A_257 = arith.addf %add3A_256, %exp3A : vector<16xf32>
      %div3A = arith.constant 1.000000e+00 : f32
      %div3A_258 = vector.broadcast %div3A : f32 to vector<16xf32>
      %div3A_259 = arith.divf %div3A_258, %add3A_257 : vector<16xf32>
      %mul3A_260 = arith.mulf %exp3A, %div3A_259 : vector<16xf32>
      %eq3A = arith.constant 0 : i32
      %eq3A_261 = vector.broadcast %eq3A : i32 to vector<16xi32>
      %eq3A_262 = arith.cmpi eq, %select_n3A_253, %eq3A_261 : vector<16xi32>
      %eq3A_263 = arith.constant 0 : i32
      %eq3A_264 = vector.broadcast %eq3A_263 : i32 to vector<16xi32>
      %eq3A_265 = arith.cmpi eq, %select_n3A_247, %eq3A_264 : vector<16xi32>
      %select_n3A_266 = arith.select %eq3A_265, %mul3A_260, %broadcast_in_dim3A_163 : vector<16xi1>, vector<16xf32>
      %select_n3A_267 = arith.select %eq3A_262, %div3A_259, %select_n3A_266 : vector<16xi1>, vector<16xf32>
      %swap3A_268 = arith.constant 0 : i32
      %swap3A_269 = arith.index_cast %swap3A_268 : i32 to index
      %swap3A_270 = arith.index_cast %mul3A_120 : i32 to index
      %swap3A_271 = tpu.vector_load %arg7[%swap3A_269, %swap3A_270] {strides = array<i32>} : memref<8x256xf32, #tpu.memory_space<vmem>>, vector<1x16xf32>,
      %swap3A_272 = vector.shape_cast %swap3A_271 : vector<1x16xf32> to vector<16xf32>
      %swap3A_273 = vector.shape_cast %select_n3A_267 : vector<16xf32> to vector<1x16xf32>
      tpu.vector_store %arg7[%swap3A_269, %swap3A_270], %swap3A_273 {strides = array<i32>} : memref<8x256xf32, #tpu.memory_space<vmem>>, vector<1x16xf32>,
      %add3A_274 = arith.addf %scan3A_103, %select_n3A_267 : vector<16xf32>
      %or3A = arith.ori %eq3A_262, %eq3A_265 : vector<16xi1>
      %add3A_275 = arith.constant 1.000000e+00 : f32
      %add3A_276 = vector.broadcast %add3A_275 : f32 to vector<16xf32>
      %add3A_277 = arith.addf %broadcast_in_dim3A_163, %add3A_276 : vector<16xf32>
      %select_n3A_278 = arith.select %or3A, %add3A_277, %broadcast_in_dim3A_163 : vector<16xi1>, vector<16xf32>
      %add3A_279 = arith.addf %scan3A_111, %select_n3A_278 : vector<16xf32>
      %eq3A_280 = arith.constant 1 : i32
      %eq3A_281 = vector.broadcast %eq3A_280 : i32 to vector<16xi32>
      %eq3A_282 = arith.cmpi eq, %select_n3A_253, %eq3A_281 : vector<16xi32>
      %eq3A_283 = arith.constant 1 : i32
      %eq3A_284 = vector.broadcast %eq3A_283 : i32 to vector<16xi32>
      %eq3A_285 = arith.cmpi eq, %select_n3A_247, %eq3A_284 : vector<16xi32>
      %select_n3A_286 = arith.select %eq3A_285, %mul3A_260, %broadcast_in_dim3A_163 : vector<16xi1>, vector<16xf32>
      %select_n3A_287 = arith.select %eq3A_282, %div3A_259, %select_n3A_286 : vector<16xi1>, vector<16xf32>
      %swap3A_288 = arith.constant 1 : i32
      %swap3A_289 = arith.index_cast %swap3A_288 : i32 to index
      %swap3A_290 = arith.index_cast %mul3A_120 : i32 to index
      %swap3A_291 = tpu.vector_load %arg7[%swap3A_289, %swap3A_290] {strides = array<i32>} : memref<8x256xf32, #tpu.memory_space<vmem>>, vector<1x16xf32>,
      %swap3A_292 = vector.shape_cast %swap3A_291 : vector<1x16xf32> to vector<16xf32>
      %swap3A_293 = vector.shape_cast %select_n3A_287 : vector<16xf32> to vector<1x16xf32>
      tpu.vector_store %arg7[%swap3A_289, %swap3A_290], %swap3A_293 {strides = array<i32>} : memref<8x256xf32, #tpu.memory_space<vmem>>, vector<1x16xf32>,
      %add3A_294 = arith.addf %scan3A_104, %select_n3A_287 : vector<16xf32>
      %or3A_295 = arith.ori %eq3A_282, %eq3A_285 : vector<16xi1>
      %add3A_296 = arith.constant 1.000000e+00 : f32
      %add3A_297 = vector.broadcast %add3A_296 : f32 to vector<16xf32>
      %add3A_298 = arith.addf %broadcast_in_dim3A_163, %add3A_297 : vector<16xf32>
      %select_n3A_299 = arith.select %or3A_295, %add3A_298, %broadcast_in_dim3A_163 : vector<16xi1>, vector<16xf32>
      %add3A_300 = arith.addf %scan3A_112, %select_n3A_299 : vector<16xf32>
      %eq3A_301 = arith.constant 2 : i32
      %eq3A_302 = vector.broadcast %eq3A_301 : i32 to vector<16xi32>
      %eq3A_303 = arith.cmpi eq, %select_n3A_253, %eq3A_302 : vector<16xi32>
      %eq3A_304 = arith.constant 2 : i32
      %eq3A_305 = vector.broadcast %eq3A_304 : i32 to vector<16xi32>
      %eq3A_306 = arith.cmpi eq, %select_n3A_247, %eq3A_305 : vector<16xi32>
      %select_n3A_307 = arith.select %eq3A_306, %mul3A_260, %broadcast_in_dim3A_163 : vector<16xi1>, vector<16xf32>
      %select_n3A_308 = arith.select %eq3A_303, %div3A_259, %select_n3A_307 : vector<16xi1>, vector<16xf32>
      %swap3A_309 = arith.constant 2 : i32
      %swap3A_310 = arith.index_cast %swap3A_309 : i32 to index
      %swap3A_311 = arith.index_cast %mul3A_120 : i32 to index
      %swap3A_312 = tpu.vector_load %arg7[%swap3A_310, %swap3A_311] {strides = array<i32>} : memref<8x256xf32, #tpu.memory_space<vmem>>, vector<1x16xf32>,
      %swap3A_313 = vector.shape_cast %swap3A_312 : vector<1x16xf32> to vector<16xf32>
      %swap3A_314 = vector.shape_cast %select_n3A_308 : vector<16xf32> to vector<1x16xf32>
      tpu.vector_store %arg7[%swap3A_310, %swap3A_311], %swap3A_314 {strides = array<i32>} : memref<8x256xf32, #tpu.memory_space<vmem>>, vector<1x16xf32>,
      %add3A_315 = arith.addf %scan3A_105, %select_n3A_308 : vector<16xf32>
      %or3A_316 = arith.ori %eq3A_303, %eq3A_306 : vector<16xi1>
      %add3A_317 = arith.constant 1.000000e+00 : f32
      %add3A_318 = vector.broadcast %add3A_317 : f32 to vector<16xf32>
      %add3A_319 = arith.addf %broadcast_in_dim3A_163, %add3A_318 : vector<16xf32>
      %select_n3A_320 = arith.select %or3A_316, %add3A_319, %broadcast_in_dim3A_163 : vector<16xi1>, vector<16xf32>
      %add3A_321 = arith.addf %scan3A_113, %select_n3A_320 : vector<16xf32>
      %eq3A_322 = arith.constant 3 : i32
      %eq3A_323 = vector.broadcast %eq3A_322 : i32 to vector<16xi32>
      %eq3A_324 = arith.cmpi eq, %select_n3A_253, %eq3A_323 : vector<16xi32>
      %eq3A_325 = arith.constant 3 : i32
      %eq3A_326 = vector.broadcast %eq3A_325 : i32 to vector<16xi32>
      %eq3A_327 = arith.cmpi eq, %select_n3A_247, %eq3A_326 : vector<16xi32>
      %select_n3A_328 = arith.select %eq3A_327, %mul3A_260, %broadcast_in_dim3A_163 : vector<16xi1>, vector<16xf32>
      %select_n3A_329 = arith.select %eq3A_324, %div3A_259, %select_n3A_328 : vector<16xi1>, vector<16xf32>
      %swap3A_330 = arith.constant 3 : i32
      %swap3A_331 = arith.index_cast %swap3A_330 : i32 to index
      %swap3A_332 = arith.index_cast %mul3A_120 : i32 to index
      %swap3A_333 = tpu.vector_load %arg7[%swap3A_331, %swap3A_332] {strides = array<i32>} : memref<8x256xf32, #tpu.memory_space<vmem>>, vector<1x16xf32>,
      %swap3A_334 = vector.shape_cast %swap3A_333 : vector<1x16xf32> to vector<16xf32>
      %swap3A_335 = vector.shape_cast %select_n3A_329 : vector<16xf32> to vector<1x16xf32>
      tpu.vector_store %arg7[%swap3A_331, %swap3A_332], %swap3A_335 {strides = array<i32>} : memref<8x256xf32, #tpu.memory_space<vmem>>, vector<1x16xf32>,
      %add3A_336 = arith.addf %scan3A_106, %select_n3A_329 : vector<16xf32>
      %or3A_337 = arith.ori %eq3A_324, %eq3A_327 : vector<16xi1>
      %add3A_338 = arith.constant 1.000000e+00 : f32
      %add3A_339 = vector.broadcast %add3A_338 : f32 to vector<16xf32>
      %add3A_340 = arith.addf %broadcast_in_dim3A_163, %add3A_339 : vector<16xf32>
      %select_n3A_341 = arith.select %or3A_337, %add3A_340, %broadcast_in_dim3A_163 : vector<16xi1>, vector<16xf32>
      %add3A_342 = arith.addf %scan3A_114, %select_n3A_341 : vector<16xf32>
      %eq3A_343 = arith.constant 4 : i32
      %eq3A_344 = vector.broadcast %eq3A_343 : i32 to vector<16xi32>
      %eq3A_345 = arith.cmpi eq, %select_n3A_253, %eq3A_344 : vector<16xi32>
      %eq3A_346 = arith.constant 4 : i32
      %eq3A_347 = vector.broadcast %eq3A_346 : i32 to vector<16xi32>
      %eq3A_348 = arith.cmpi eq, %select_n3A_247, %eq3A_347 : vector<16xi32>
      %select_n3A_349 = arith.select %eq3A_348, %mul3A_260, %broadcast_in_dim3A_163 : vector<16xi1>, vector<16xf32>
      %select_n3A_350 = arith.select %eq3A_345, %div3A_259, %select_n3A_349 : vector<16xi1>, vector<16xf32>
      %swap3A_351 = arith.constant 4 : i32
      %swap3A_352 = arith.index_cast %swap3A_351 : i32 to index
      %swap3A_353 = arith.index_cast %mul3A_120 : i32 to index
      %swap3A_354 = tpu.vector_load %arg7[%swap3A_352, %swap3A_353] {strides = array<i32>} : memref<8x256xf32, #tpu.memory_space<vmem>>, vector<1x16xf32>,
      %swap3A_355 = vector.shape_cast %swap3A_354 : vector<1x16xf32> to vector<16xf32>
      %swap3A_356 = vector.shape_cast %select_n3A_350 : vector<16xf32> to vector<1x16xf32>
      tpu.vector_store %arg7[%swap3A_352, %swap3A_353], %swap3A_356 {strides = array<i32>} : memref<8x256xf32, #tpu.memory_space<vmem>>, vector<1x16xf32>,
      %add3A_357 = arith.addf %scan3A_107, %select_n3A_350 : vector<16xf32>
      %or3A_358 = arith.ori %eq3A_345, %eq3A_348 : vector<16xi1>
      %add3A_359 = arith.constant 1.000000e+00 : f32
      %add3A_360 = vector.broadcast %add3A_359 : f32 to vector<16xf32>
      %add3A_361 = arith.addf %broadcast_in_dim3A_163, %add3A_360 : vector<16xf32>
      %select_n3A_362 = arith.select %or3A_358, %add3A_361, %broadcast_in_dim3A_163 : vector<16xi1>, vector<16xf32>
      %add3A_363 = arith.addf %scan3A_115, %select_n3A_362 : vector<16xf32>
      %eq3A_364 = arith.constant 5 : i32
      %eq3A_365 = vector.broadcast %eq3A_364 : i32 to vector<16xi32>
      %eq3A_366 = arith.cmpi eq, %select_n3A_253, %eq3A_365 : vector<16xi32>
      %eq3A_367 = arith.constant 5 : i32
      %eq3A_368 = vector.broadcast %eq3A_367 : i32 to vector<16xi32>
      %eq3A_369 = arith.cmpi eq, %select_n3A_247, %eq3A_368 : vector<16xi32>
      %select_n3A_370 = arith.select %eq3A_369, %mul3A_260, %broadcast_in_dim3A_163 : vector<16xi1>, vector<16xf32>
      %select_n3A_371 = arith.select %eq3A_366, %div3A_259, %select_n3A_370 : vector<16xi1>, vector<16xf32>
      %swap3A_372 = arith.constant 5 : i32
      %swap3A_373 = arith.index_cast %swap3A_372 : i32 to index
      %swap3A_374 = arith.index_cast %mul3A_120 : i32 to index
      %swap3A_375 = tpu.vector_load %arg7[%swap3A_373, %swap3A_374] {strides = array<i32>} : memref<8x256xf32, #tpu.memory_space<vmem>>, vector<1x16xf32>,
      %swap3A_376 = vector.shape_cast %swap3A_375 : vector<1x16xf32> to vector<16xf32>
      %swap3A_377 = vector.shape_cast %select_n3A_371 : vector<16xf32> to vector<1x16xf32>
      tpu.vector_store %arg7[%swap3A_373, %swap3A_374], %swap3A_377 {strides = array<i32>} : memref<8x256xf32, #tpu.memory_space<vmem>>, vector<1x16xf32>,
      %add3A_378 = arith.addf %scan3A_108, %select_n3A_371 : vector<16xf32>
      %or3A_379 = arith.ori %eq3A_366, %eq3A_369 : vector<16xi1>
      %add3A_380 = arith.constant 1.000000e+00 : f32
      %add3A_381 = vector.broadcast %add3A_380 : f32 to vector<16xf32>
      %add3A_382 = arith.addf %broadcast_in_dim3A_163, %add3A_381 : vector<16xf32>
      %select_n3A_383 = arith.select %or3A_379, %add3A_382, %broadcast_in_dim3A_163 : vector<16xi1>, vector<16xf32>
      %add3A_384 = arith.addf %scan3A_116, %select_n3A_383 : vector<16xf32>
      %eq3A_385 = arith.constant 6 : i32
      %eq3A_386 = vector.broadcast %eq3A_385 : i32 to vector<16xi32>
      %eq3A_387 = arith.cmpi eq, %select_n3A_253, %eq3A_386 : vector<16xi32>
      %eq3A_388 = arith.constant 6 : i32
      %eq3A_389 = vector.broadcast %eq3A_388 : i32 to vector<16xi32>
      %eq3A_390 = arith.cmpi eq, %select_n3A_247, %eq3A_389 : vector<16xi32>
      %select_n3A_391 = arith.select %eq3A_390, %mul3A_260, %broadcast_in_dim3A_163 : vector<16xi1>, vector<16xf32>
      %select_n3A_392 = arith.select %eq3A_387, %div3A_259, %select_n3A_391 : vector<16xi1>, vector<16xf32>
      %swap3A_393 = arith.constant 6 : i32
      %swap3A_394 = arith.index_cast %swap3A_393 : i32 to index
      %swap3A_395 = arith.index_cast %mul3A_120 : i32 to index
      %swap3A_396 = tpu.vector_load %arg7[%swap3A_394, %swap3A_395] {strides = array<i32>} : memref<8x256xf32, #tpu.memory_space<vmem>>, vector<1x16xf32>,
      %swap3A_397 = vector.shape_cast %swap3A_396 : vector<1x16xf32> to vector<16xf32>
      %swap3A_398 = vector.shape_cast %select_n3A_392 : vector<16xf32> to vector<1x16xf32>
      tpu.vector_store %arg7[%swap3A_394, %swap3A_395], %swap3A_398 {strides = array<i32>} : memref<8x256xf32, #tpu.memory_space<vmem>>, vector<1x16xf32>,
      %add3A_399 = arith.addf %scan3A_109, %select_n3A_392 : vector<16xf32>
      %or3A_400 = arith.ori %eq3A_387, %eq3A_390 : vector<16xi1>
      %add3A_401 = arith.constant 1.000000e+00 : f32
      %add3A_402 = vector.broadcast %add3A_401 : f32 to vector<16xf32>
      %add3A_403 = arith.addf %broadcast_in_dim3A_163, %add3A_402 : vector<16xf32>
      %select_n3A_404 = arith.select %or3A_400, %add3A_403, %broadcast_in_dim3A_163 : vector<16xi1>, vector<16xf32>
      %add3A_405 = arith.addf %scan3A_117, %select_n3A_404 : vector<16xf32>
      %eq3A_406 = arith.constant 7 : i32
      %eq3A_407 = vector.broadcast %eq3A_406 : i32 to vector<16xi32>
      %eq3A_408 = arith.cmpi eq, %select_n3A_253, %eq3A_407 : vector<16xi32>
      %eq3A_409 = arith.constant 7 : i32
      %eq3A_410 = vector.broadcast %eq3A_409 : i32 to vector<16xi32>
      %eq3A_411 = arith.cmpi eq, %select_n3A_247, %eq3A_410 : vector<16xi32>
      %select_n3A_412 = arith.select %eq3A_411, %mul3A_260, %broadcast_in_dim3A_163 : vector<16xi1>, vector<16xf32>
      %select_n3A_413 = arith.select %eq3A_408, %div3A_259, %select_n3A_412 : vector<16xi1>, vector<16xf32>
      %swap3A_414 = arith.constant 7 : i32
      %swap3A_415 = arith.index_cast %swap3A_414 : i32 to index
      %swap3A_416 = arith.index_cast %mul3A_120 : i32 to index
      %swap3A_417 = tpu.vector_load %arg7[%swap3A_415, %swap3A_416] {strides = array<i32>} : memref<8x256xf32, #tpu.memory_space<vmem>>, vector<1x16xf32>,
      %swap3A_418 = vector.shape_cast %swap3A_417 : vector<1x16xf32> to vector<16xf32>
      %swap3A_419 = vector.shape_cast %select_n3A_413 : vector<16xf32> to vector<1x16xf32>
      tpu.vector_store %arg7[%swap3A_415, %swap3A_416], %swap3A_419 {strides = array<i32>} : memref<8x256xf32, #tpu.memory_space<vmem>>, vector<1x16xf32>,
      %add3A_420 = arith.addf %scan3A_110, %select_n3A_413 : vector<16xf32>
      %or3A_421 = arith.ori %eq3A_408, %eq3A_411 : vector<16xi1>
      %add3A_422 = arith.constant 1.000000e+00 : f32
      %add3A_423 = vector.broadcast %add3A_422 : f32 to vector<16xf32>
      %add3A_424 = arith.addf %broadcast_in_dim3A_163, %add3A_423 : vector<16xf32>
      %select_n3A_425 = arith.select %or3A_421, %add3A_424, %broadcast_in_dim3A_163 : vector<16xi1>, vector<16xf32>
      %add3A_426 = arith.addf %scan3A_118, %select_n3A_425 : vector<16xf32>
      %swap3A_427 = arith.constant 0 : i32
      %swap3A_428 = arith.index_cast %swap3A_427 : i32 to index
      %swap3A_429 = arith.index_cast %mul3A_120 : i32 to index
      %swap3A_430 = tpu.vector_load %arg8[%swap3A_428, %swap3A_429] {strides = array<i32>} : memref<2x256xi32, #tpu.memory_space<vmem>>, vector<1x16xi32>,
      %swap3A_431 = vector.shape_cast %swap3A_430 : vector<1x16xi32> to vector<16xi32>
      %swap3A_432 = vector.shape_cast %select_n3A_253 : vector<16xi32> to vector<1x16xi32>
      tpu.vector_store %arg8[%swap3A_428, %swap3A_429], %swap3A_432 {strides = array<i32>} : memref<2x256xi32, #tpu.memory_space<vmem>>, vector<1x16xi32>,
      %swap3A_433 = arith.constant 1 : i32
      %swap3A_434 = arith.index_cast %swap3A_433 : i32 to index
      %swap3A_435 = arith.index_cast %mul3A_120 : i32 to index
      %swap3A_436 = tpu.vector_load %arg8[%swap3A_434, %swap3A_435] {strides = array<i32>} : memref<2x256xi32, #tpu.memory_space<vmem>>, vector<1x16xi32>,
      %swap3A_437 = vector.shape_cast %swap3A_436 : vector<1x16xi32> to vector<16xi32>
      %swap3A_438 = vector.shape_cast %select_n3A_247 : vector<16xi32> to vector<1x16xi32>
      tpu.vector_store %arg8[%swap3A_434, %swap3A_435], %swap3A_438 {strides = array<i32>} : memref<2x256xi32, #tpu.memory_space<vmem>>, vector<1x16xi32>,
      scf.yield %add3A_274, %add3A_294, %add3A_315, %add3A_336, %add3A_357, %add3A_378, %add3A_399, %add3A_420, %add3A_279, %add3A_300, %add3A_321, %add3A_342, %add3A_363, %add3A_384, %add3A_405, %add3A_426 : vector<16xf32>, vector<16xf32>, vector<16xf32>, vector<16xf32>, vector<16xf32>, vector<16xf32>, vector<16xf32>, vector<16xf32>, vector<16xf32>, vector<16xf32>, vector<16xf32>, vector<16xf32>, vector<16xf32>, vector<16xf32>, vector<16xf32>, vector<16xf32>
    }
    %scan3A_6 = arith.constant 16 : i32
    %swap3A = arith.constant 0 : i32
    %swap3A_7 = arith.index_cast %swap3A : i32 to index
    %swap3A_8 = arith.constant 0 : index
    %swap3A_9 = tpu.vector_load %arg9[%swap3A_7, %swap3A_8] {strides = array<i32>} : memref<16x16xf32, #tpu.memory_space<vmem>>, vector<1x16xf32>,
    %swap3A_10 = vector.shape_cast %swap3A_9 : vector<1x16xf32> to vector<16xf32>
    %swap3A_11 = vector.shape_cast %scan3A_5#0 : vector<16xf32> to vector<1x16xf32>
    tpu.vector_store %arg9[%swap3A_7, %swap3A_8], %swap3A_11 {strides = array<i32>} : memref<16x16xf32, #tpu.memory_space<vmem>>, vector<1x16xf32>,
    %swap3A_12 = arith.constant 8 : i32
    %swap3A_13 = arith.index_cast %swap3A_12 : i32 to index
    %swap3A_14 = arith.constant 0 : index
    %swap3A_15 = tpu.vector_load %arg9[%swap3A_13, %swap3A_14] {strides = array<i32>} : memref<16x16xf32, #tpu.memory_space<vmem>>, vector<1x16xf32>,
    %swap3A_16 = vector.shape_cast %swap3A_15 : vector<1x16xf32> to vector<16xf32>
    %swap3A_17 = vector.shape_cast %scan3A_5#8 : vector<16xf32> to vector<1x16xf32>
    tpu.vector_store %arg9[%swap3A_13, %swap3A_14], %swap3A_17 {strides = array<i32>} : memref<16x16xf32, #tpu.memory_space<vmem>>, vector<1x16xf32>,
    %swap3A_18 = arith.constant 1 : i32
    %swap3A_19 = arith.index_cast %swap3A_18 : i32 to index
    %swap3A_20 = arith.constant 0 : index
    %swap3A_21 = tpu.vector_load %arg9[%swap3A_19, %swap3A_20] {strides = array<i32>} : memref<16x16xf32, #tpu.memory_space<vmem>>, vector<1x16xf32>,
    %swap3A_22 = vector.shape_cast %swap3A_21 : vector<1x16xf32> to vector<16xf32>
    %swap3A_23 = vector.shape_cast %scan3A_5#1 : vector<16xf32> to vector<1x16xf32>
    tpu.vector_store %arg9[%swap3A_19, %swap3A_20], %swap3A_23 {strides = array<i32>} : memref<16x16xf32, #tpu.memory_space<vmem>>, vector<1x16xf32>,
    %swap3A_24 = arith.constant 9 : i32
    %swap3A_25 = arith.index_cast %swap3A_24 : i32 to index
    %swap3A_26 = arith.constant 0 : index
    %swap3A_27 = tpu.vector_load %arg9[%swap3A_25, %swap3A_26] {strides = array<i32>} : memref<16x16xf32, #tpu.memory_space<vmem>>, vector<1x16xf32>,
    %swap3A_28 = vector.shape_cast %swap3A_27 : vector<1x16xf32> to vector<16xf32>
    %swap3A_29 = vector.shape_cast %scan3A_5#9 : vector<16xf32> to vector<1x16xf32>
    tpu.vector_store %arg9[%swap3A_25, %swap3A_26], %swap3A_29 {strides = array<i32>} : memref<16x16xf32, #tpu.memory_space<vmem>>, vector<1x16xf32>,
    %swap3A_30 = arith.constant 2 : i32
    %swap3A_31 = arith.index_cast %swap3A_30 : i32 to index
    %swap3A_32 = arith.constant 0 : index
    %swap3A_33 = tpu.vector_load %arg9[%swap3A_31, %swap3A_32] {strides = array<i32>} : memref<16x16xf32, #tpu.memory_space<vmem>>, vector<1x16xf32>,
    %swap3A_34 = vector.shape_cast %swap3A_33 : vector<1x16xf32> to vector<16xf32>
    %swap3A_35 = vector.shape_cast %scan3A_5#2 : vector<16xf32> to vector<1x16xf32>
    tpu.vector_store %arg9[%swap3A_31, %swap3A_32], %swap3A_35 {strides = array<i32>} : memref<16x16xf32, #tpu.memory_space<vmem>>, vector<1x16xf32>,
    %swap3A_36 = arith.constant 10 : i32
    %swap3A_37 = arith.index_cast %swap3A_36 : i32 to index
    %swap3A_38 = arith.constant 0 : index
    %swap3A_39 = tpu.vector_load %arg9[%swap3A_37, %swap3A_38] {strides = array<i32>} : memref<16x16xf32, #tpu.memory_space<vmem>>, vector<1x16xf32>,
    %swap3A_40 = vector.shape_cast %swap3A_39 : vector<1x16xf32> to vector<16xf32>
    %swap3A_41 = vector.shape_cast %scan3A_5#10 : vector<16xf32> to vector<1x16xf32>
    tpu.vector_store %arg9[%swap3A_37, %swap3A_38], %swap3A_41 {strides = array<i32>} : memref<16x16xf32, #tpu.memory_space<vmem>>, vector<1x16xf32>,
    %swap3A_42 = arith.constant 3 : i32
    %swap3A_43 = arith.index_cast %swap3A_42 : i32 to index
    %swap3A_44 = arith.constant 0 : index
    %swap3A_45 = tpu.vector_load %arg9[%swap3A_43, %swap3A_44] {strides = array<i32>} : memref<16x16xf32, #tpu.memory_space<vmem>>, vector<1x16xf32>,
    %swap3A_46 = vector.shape_cast %swap3A_45 : vector<1x16xf32> to vector<16xf32>
    %swap3A_47 = vector.shape_cast %scan3A_5#3 : vector<16xf32> to vector<1x16xf32>
    tpu.vector_store %arg9[%swap3A_43, %swap3A_44], %swap3A_47 {strides = array<i32>} : memref<16x16xf32, #tpu.memory_space<vmem>>, vector<1x16xf32>,
    %swap3A_48 = arith.constant 11 : i32
    %swap3A_49 = arith.index_cast %swap3A_48 : i32 to index
    %swap3A_50 = arith.constant 0 : index
    %swap3A_51 = tpu.vector_load %arg9[%swap3A_49, %swap3A_50] {strides = array<i32>} : memref<16x16xf32, #tpu.memory_space<vmem>>, vector<1x16xf32>,
    %swap3A_52 = vector.shape_cast %swap3A_51 : vector<1x16xf32> to vector<16xf32>
    %swap3A_53 = vector.shape_cast %scan3A_5#11 : vector<16xf32> to vector<1x16xf32>
    tpu.vector_store %arg9[%swap3A_49, %swap3A_50], %swap3A_53 {strides = array<i32>} : memref<16x16xf32, #tpu.memory_space<vmem>>, vector<1x16xf32>,
    %swap3A_54 = arith.constant 4 : i32
    %swap3A_55 = arith.index_cast %swap3A_54 : i32 to index
    %swap3A_56 = arith.constant 0 : index
    %swap3A_57 = tpu.vector_load %arg9[%swap3A_55, %swap3A_56] {strides = array<i32>} : memref<16x16xf32, #tpu.memory_space<vmem>>, vector<1x16xf32>,
    %swap3A_58 = vector.shape_cast %swap3A_57 : vector<1x16xf32> to vector<16xf32>
    %swap3A_59 = vector.shape_cast %scan3A_5#4 : vector<16xf32> to vector<1x16xf32>
    tpu.vector_store %arg9[%swap3A_55, %swap3A_56], %swap3A_59 {strides = array<i32>} : memref<16x16xf32, #tpu.memory_space<vmem>>, vector<1x16xf32>,
    %swap3A_60 = arith.constant 12 : i32
    %swap3A_61 = arith.index_cast %swap3A_60 : i32 to index
    %swap3A_62 = arith.constant 0 : index
    %swap3A_63 = tpu.vector_load %arg9[%swap3A_61, %swap3A_62] {strides = array<i32>} : memref<16x16xf32, #tpu.memory_space<vmem>>, vector<1x16xf32>,
    %swap3A_64 = vector.shape_cast %swap3A_63 : vector<1x16xf32> to vector<16xf32>
    %swap3A_65 = vector.shape_cast %scan3A_5#12 : vector<16xf32> to vector<1x16xf32>
    tpu.vector_store %arg9[%swap3A_61, %swap3A_62], %swap3A_65 {strides = array<i32>} : memref<16x16xf32, #tpu.memory_space<vmem>>, vector<1x16xf32>,
    %swap3A_66 = arith.constant 5 : i32
    %swap3A_67 = arith.index_cast %swap3A_66 : i32 to index
    %swap3A_68 = arith.constant 0 : index
    %swap3A_69 = tpu.vector_load %arg9[%swap3A_67, %swap3A_68] {strides = array<i32>} : memref<16x16xf32, #tpu.memory_space<vmem>>, vector<1x16xf32>,
    %swap3A_70 = vector.shape_cast %swap3A_69 : vector<1x16xf32> to vector<16xf32>
    %swap3A_71 = vector.shape_cast %scan3A_5#5 : vector<16xf32> to vector<1x16xf32>
    tpu.vector_store %arg9[%swap3A_67, %swap3A_68], %swap3A_71 {strides = array<i32>} : memref<16x16xf32, #tpu.memory_space<vmem>>, vector<1x16xf32>,
    %swap3A_72 = arith.constant 13 : i32
    %swap3A_73 = arith.index_cast %swap3A_72 : i32 to index
    %swap3A_74 = arith.constant 0 : index
    %swap3A_75 = tpu.vector_load %arg9[%swap3A_73, %swap3A_74] {strides = array<i32>} : memref<16x16xf32, #tpu.memory_space<vmem>>, vector<1x16xf32>,
    %swap3A_76 = vector.shape_cast %swap3A_75 : vector<1x16xf32> to vector<16xf32>
    %swap3A_77 = vector.shape_cast %scan3A_5#13 : vector<16xf32> to vector<1x16xf32>
    tpu.vector_store %arg9[%swap3A_73, %swap3A_74], %swap3A_77 {strides = array<i32>} : memref<16x16xf32, #tpu.memory_space<vmem>>, vector<1x16xf32>,
    %swap3A_78 = arith.constant 6 : i32
    %swap3A_79 = arith.index_cast %swap3A_78 : i32 to index
    %swap3A_80 = arith.constant 0 : index
    %swap3A_81 = tpu.vector_load %arg9[%swap3A_79, %swap3A_80] {strides = array<i32>} : memref<16x16xf32, #tpu.memory_space<vmem>>, vector<1x16xf32>,
    %swap3A_82 = vector.shape_cast %swap3A_81 : vector<1x16xf32> to vector<16xf32>
    %swap3A_83 = vector.shape_cast %scan3A_5#6 : vector<16xf32> to vector<1x16xf32>
    tpu.vector_store %arg9[%swap3A_79, %swap3A_80], %swap3A_83 {strides = array<i32>} : memref<16x16xf32, #tpu.memory_space<vmem>>, vector<1x16xf32>,
    %swap3A_84 = arith.constant 14 : i32
    %swap3A_85 = arith.index_cast %swap3A_84 : i32 to index
    %swap3A_86 = arith.constant 0 : index
    %swap3A_87 = tpu.vector_load %arg9[%swap3A_85, %swap3A_86] {strides = array<i32>} : memref<16x16xf32, #tpu.memory_space<vmem>>, vector<1x16xf32>,
    %swap3A_88 = vector.shape_cast %swap3A_87 : vector<1x16xf32> to vector<16xf32>
    %swap3A_89 = vector.shape_cast %scan3A_5#14 : vector<16xf32> to vector<1x16xf32>
    tpu.vector_store %arg9[%swap3A_85, %swap3A_86], %swap3A_89 {strides = array<i32>} : memref<16x16xf32, #tpu.memory_space<vmem>>, vector<1x16xf32>,
    %swap3A_90 = arith.constant 7 : i32
    %swap3A_91 = arith.index_cast %swap3A_90 : i32 to index
    %swap3A_92 = arith.constant 0 : index
    %swap3A_93 = tpu.vector_load %arg9[%swap3A_91, %swap3A_92] {strides = array<i32>} : memref<16x16xf32, #tpu.memory_space<vmem>>, vector<1x16xf32>,
    %swap3A_94 = vector.shape_cast %swap3A_93 : vector<1x16xf32> to vector<16xf32>
    %swap3A_95 = vector.shape_cast %scan3A_5#7 : vector<16xf32> to vector<1x16xf32>
    tpu.vector_store %arg9[%swap3A_91, %swap3A_92], %swap3A_95 {strides = array<i32>} : memref<16x16xf32, #tpu.memory_space<vmem>>, vector<1x16xf32>,
    %swap3A_96 = arith.constant 15 : i32
    %swap3A_97 = arith.index_cast %swap3A_96 : i32 to index
    %swap3A_98 = arith.constant 0 : index
    %swap3A_99 = tpu.vector_load %arg9[%swap3A_97, %swap3A_98] {strides = array<i32>} : memref<16x16xf32, #tpu.memory_space<vmem>>, vector<1x16xf32>,
    %swap3A_100 = vector.shape_cast %swap3A_99 : vector<1x16xf32> to vector<16xf32>
    %swap3A_101 = vector.shape_cast %scan3A_5#15 : vector<16xf32> to vector<1x16xf32>
    tpu.vector_store %arg9[%swap3A_97, %swap3A_98], %swap3A_101 {strides = array<i32>} : memref<16x16xf32, #tpu.memory_space<vmem>>, vector<1x16xf32>,
    "tpu.region"() ({
      %run_scoped3A = tpu.sem_alloc : memref<!tpu.dma_semaphore, #tpu.memory_space<semaphore_mem>>
      %dma_start3A = arith.constant 0 : i32
      %dma_start3A_102 = arith.constant 0 : i32
      %dma_start3A_103 = tpu.memref_slice %arg3[%add3A, %dma_start3A, %dma_start3A_102] : memref<32x8x256xf32, #tpu.memory_space<hbm>> -> memref<1x8x256xf32, #tpu.memory_space<hbm>>
      %dma_start3A_104 = tpu.memref_squeeze %dma_start3A_103 : memref<1x8x256xf32, #tpu.memory_space<hbm>> -> memref<8x256xf32, #tpu.memory_space<hbm>>
      %dma_start3A_105 = arith.constant 0 : i32
      %dma_start3A_106 = arith.constant 0 : i32
      %dma_start3A_107 = tpu.memref_slice %arg3[%add3A, %dma_start3A_105, %dma_start3A_106] : memref<32x8x256xf32, #tpu.memory_space<hbm>> -> memref<1x8x256xf32, #tpu.memory_space<hbm>>
      %dma_start3A_108 = tpu.memref_squeeze %dma_start3A_107 : memref<1x8x256xf32, #tpu.memory_space<hbm>> -> memref<8x256xf32, #tpu.memory_space<hbm>>
      tpu.enqueue_dma source(%arg7 : memref<8x256xf32, #tpu.memory_space<vmem>>) target(%dma_start3A_108 : memref<8x256xf32, #tpu.memory_space<hbm>>) target_semaphore(%run_scoped3A : memref<!tpu.dma_semaphore, #tpu.memory_space<semaphore_mem>>)
      %dma_wait3A = arith.constant 0 : i32
      %dma_wait3A_109 = arith.constant 0 : i32
      %dma_wait3A_110 = tpu.memref_slice %arg3[%add3A, %dma_wait3A, %dma_wait3A_109] : memref<32x8x256xf32, #tpu.memory_space<hbm>> -> memref<1x8x256xf32, #tpu.memory_space<hbm>>
      %dma_wait3A_111 = tpu.memref_squeeze %dma_wait3A_110 : memref<1x8x256xf32, #tpu.memory_space<hbm>> -> memref<8x256xf32, #tpu.memory_space<hbm>>
      %dma_wait3A_112 = arith.constant 0 : i32
      %dma_wait3A_113 = arith.constant 0 : i32
      %dma_wait3A_114 = tpu.memref_slice %arg3[%add3A, %dma_wait3A_112, %dma_wait3A_113] : memref<32x8x256xf32, #tpu.memory_space<hbm>> -> memref<1x8x256xf32, #tpu.memory_space<hbm>>
      %dma_wait3A_115 = tpu.memref_squeeze %dma_wait3A_114 : memref<1x8x256xf32, #tpu.memory_space<hbm>> -> memref<8x256xf32, #tpu.memory_space<hbm>>
      tpu.wait_dma2 semaphore(%run_scoped3A : memref<!tpu.dma_semaphore, #tpu.memory_space<semaphore_mem>>) src(%arg7 : memref<8x256xf32, #tpu.memory_space<vmem>>) dst(%dma_wait3A_115 : memref<8x256xf32, #tpu.memory_space<hbm>>)
      tpu.yield
    }) : () -> ()
    "tpu.region"() ({
      %run_scoped3A = tpu.sem_alloc : memref<!tpu.dma_semaphore, #tpu.memory_space<semaphore_mem>>
      %dma_start3A = arith.constant 0 : i32
      %dma_start3A_102 = arith.constant 0 : i32
      %dma_start3A_103 = tpu.memref_slice %arg4[%add3A, %dma_start3A, %dma_start3A_102] : memref<32x2x256xi32, #tpu.memory_space<hbm>> -> memref<1x2x256xi32, #tpu.memory_space<hbm>>
      %dma_start3A_104 = tpu.memref_squeeze %dma_start3A_103 : memref<1x2x256xi32, #tpu.memory_space<hbm>> -> memref<2x256xi32, #tpu.memory_space<hbm>>
      %dma_start3A_105 = arith.constant 0 : i32
      %dma_start3A_106 = arith.constant 0 : i32
      %dma_start3A_107 = tpu.memref_slice %arg4[%add3A, %dma_start3A_105, %dma_start3A_106] : memref<32x2x256xi32, #tpu.memory_space<hbm>> -> memref<1x2x256xi32, #tpu.memory_space<hbm>>
      %dma_start3A_108 = tpu.memref_squeeze %dma_start3A_107 : memref<1x2x256xi32, #tpu.memory_space<hbm>> -> memref<2x256xi32, #tpu.memory_space<hbm>>
      tpu.enqueue_dma source(%arg8 : memref<2x256xi32, #tpu.memory_space<vmem>>) target(%dma_start3A_108 : memref<2x256xi32, #tpu.memory_space<hbm>>) target_semaphore(%run_scoped3A : memref<!tpu.dma_semaphore, #tpu.memory_space<semaphore_mem>>)
      %dma_wait3A = arith.constant 0 : i32
      %dma_wait3A_109 = arith.constant 0 : i32
      %dma_wait3A_110 = tpu.memref_slice %arg4[%add3A, %dma_wait3A, %dma_wait3A_109] : memref<32x2x256xi32, #tpu.memory_space<hbm>> -> memref<1x2x256xi32, #tpu.memory_space<hbm>>
      %dma_wait3A_111 = tpu.memref_squeeze %dma_wait3A_110 : memref<1x2x256xi32, #tpu.memory_space<hbm>> -> memref<2x256xi32, #tpu.memory_space<hbm>>
      %dma_wait3A_112 = arith.constant 0 : i32
      %dma_wait3A_113 = arith.constant 0 : i32
      %dma_wait3A_114 = tpu.memref_slice %arg4[%add3A, %dma_wait3A_112, %dma_wait3A_113] : memref<32x2x256xi32, #tpu.memory_space<hbm>> -> memref<1x2x256xi32, #tpu.memory_space<hbm>>
      %dma_wait3A_115 = tpu.memref_squeeze %dma_wait3A_114 : memref<1x2x256xi32, #tpu.memory_space<hbm>> -> memref<2x256xi32, #tpu.memory_space<hbm>>
      tpu.wait_dma2 semaphore(%run_scoped3A : memref<!tpu.dma_semaphore, #tpu.memory_space<semaphore_mem>>) src(%arg8 : memref<2x256xi32, #tpu.memory_space<vmem>>) dst(%dma_wait3A_115 : memref<2x256xi32, #tpu.memory_space<hbm>>)
      tpu.yield
    }) : () -> ()
    "tpu.region"() ({
      %run_scoped3A = tpu.sem_alloc : memref<!tpu.dma_semaphore, #tpu.memory_space<semaphore_mem>>
      %dma_start3A = arith.constant 0 : i32
      %dma_start3A_102 = arith.constant 0 : i32
      %dma_start3A_103 = tpu.memref_slice %arg5[%add3A, %dma_start3A, %dma_start3A_102] : memref<32x16x16xf32, #tpu.memory_space<hbm>> -> memref<1x16x16xf32, #tpu.memory_space<hbm>>
      %dma_start3A_104 = tpu.memref_squeeze %dma_start3A_103 : memref<1x16x16xf32, #tpu.memory_space<hbm>> -> memref<16x16xf32, #tpu.memory_space<hbm>>
      %dma_start3A_105 = arith.constant 0 : i32
      %dma_start3A_106 = arith.constant 0 : i32
      %dma_start3A_107 = tpu.memref_slice %arg5[%add3A, %dma_start3A_105, %dma_start3A_106] : memref<32x16x16xf32, #tpu.memory_space<hbm>> -> memref<1x16x16xf32, #tpu.memory_space<hbm>>
      %dma_start3A_108 = tpu.memref_squeeze %dma_start3A_107 : memref<1x16x16xf32, #tpu.memory_space<hbm>> -> memref<16x16xf32, #tpu.memory_space<hbm>>
      tpu.enqueue_dma source(%arg9 : memref<16x16xf32, #tpu.memory_space<vmem>>) target(%dma_start3A_108 : memref<16x16xf32, #tpu.memory_space<hbm>>) target_semaphore(%run_scoped3A : memref<!tpu.dma_semaphore, #tpu.memory_space<semaphore_mem>>)
      %dma_wait3A = arith.constant 0 : i32
      %dma_wait3A_109 = arith.constant 0 : i32
      %dma_wait3A_110 = tpu.memref_slice %arg5[%add3A, %dma_wait3A, %dma_wait3A_109] : memref<32x16x16xf32, #tpu.memory_space<hbm>> -> memref<1x16x16xf32, #tpu.memory_space<hbm>>
      %dma_wait3A_111 = tpu.memref_squeeze %dma_wait3A_110 : memref<1x16x16xf32, #tpu.memory_space<hbm>> -> memref<16x16xf32, #tpu.memory_space<hbm>>
      %dma_wait3A_112 = arith.constant 0 : i32
      %dma_wait3A_113 = arith.constant 0 : i32
      %dma_wait3A_114 = tpu.memref_slice %arg5[%add3A, %dma_wait3A_112, %dma_wait3A_113] : memref<32x16x16xf32, #tpu.memory_space<hbm>> -> memref<1x16x16xf32, #tpu.memory_space<hbm>>
      %dma_wait3A_115 = tpu.memref_squeeze %dma_wait3A_114 : memref<1x16x16xf32, #tpu.memory_space<hbm>> -> memref<16x16xf32, #tpu.memory_space<hbm>>
      tpu.wait_dma2 semaphore(%run_scoped3A : memref<!tpu.dma_semaphore, #tpu.memory_space<semaphore_mem>>) src(%arg9 : memref<16x16xf32, #tpu.memory_space<vmem>>) dst(%dma_wait3A_115 : memref<16x16xf32, #tpu.memory_space<hbm>>)
      tpu.yield
    }) : () -> ()
    return
  }
}

module attributes {stable_mosaic.version = 14 : i64} {
  func.func @_logits_body(%arg0: i32, %arg1: memref<256x2048xf32, #tpu.memory_space<vmem>>, %arg2: memref<2048x16xf32, #tpu.memory_space<vmem>>, %arg3: memref<1x16xf32, #tpu.memory_space<vmem>>, %arg4: memref<256x8xf32, #tpu.memory_space<vmem>>, %arg5: memref<1x8x256xf32, #tpu.memory_space<vmem>>) attributes {dimension_semantics = [#tpu.dimension_semantics<arbitrary>], iteration_bounds = array<i64: 32>, scalar_prefetch = 0 : i64, scratch_operands = 0 : i64, tpu.core_type = #tpu.core_type<tc>, window_params = [{transform_indices = @transform_0, window_bounds = array<i64: 256, 2048>}, {pipeline_mode = #tpu.pipeline_mode<synchronous>, transform_indices = @transform_1, window_bounds = array<i64: 2048, 16>}, {pipeline_mode = #tpu.pipeline_mode<synchronous>, transform_indices = @transform_2, window_bounds = array<i64: 1, 16>}, {transform_indices = @transform_3, window_bounds = array<i64: 256, 8>}, {transform_indices = @transform_4, window_bounds = array<i64: 1, 8, 256>}]} {
    %get3A = arith.constant 0 : index
    %get3A_0 = arith.constant 0 : index
    %get3A_1 = vector.load %arg1[%get3A, %get3A_0] : memref<256x2048xf32, #tpu.memory_space<vmem>>, vector<256x2048xf32>
    %get3A_2 = arith.constant 0 : index
    %get3A_3 = arith.constant 0 : index
    %get3A_4 = vector.load %arg2[%get3A_2, %get3A_3] : memref<2048x16xf32, #tpu.memory_space<vmem>>, vector<2048x16xf32>
    %dot_general3A = arith.constant dense<0.000000e+00> : vector<256x16xf32>
    %dot_general3A_5 = tpu.matmul %get3A_1, %get3A_4, %dot_general3A {dimension_numbers = #tpu.dot_dimension_numbers<[1], [0], [0], [1], [0, 0, 1, 1], [], []>, transpose_lhs_hint = false} : vector<256x2048xf32>, vector<2048x16xf32>, vector<256x16xf32> -> vector<256x16xf32>
    %get3A_6 = arith.constant 0 : index
    %get3A_7 = arith.constant 0 : index
    %get3A_8 = vector.load %arg3[%get3A_6, %get3A_7] : memref<1x16xf32, #tpu.memory_space<vmem>>, vector<1x16xf32>
    %add3A = vector.broadcast %get3A_8 : vector<1x16xf32> to vector<256x16xf32>
    %add3A_9 = arith.addf %dot_general3A_5, %add3A : vector<256x16xf32>
    %transpose3A = tpu.transpose %add3A_9, [1, 0] : vector<256x16xf32> -> vector<16x256xf32>
    %get3A_10 = arith.constant 0 : index
    %get3A_11 = arith.constant 0 : index
    %get3A_12 = vector.load %arg4[%get3A_10, %get3A_11] : memref<256x8xf32, #tpu.memory_space<vmem>>, vector<256x8xf32>
    %transpose3A_13 = tpu.transpose %get3A_12, [1, 0] : vector<256x8xf32> -> vector<8x256xf32>
    %slice3A = vector.extract_strided_slice %transpose3A {offsets = [0, 0], sizes = [8, 256], strides = [1, 1]} : vector<16x256xf32> to vector<8x256xf32>
    %slice3A_14 = vector.extract_strided_slice %transpose3A {offsets = [8, 0], sizes = [8, 256], strides = [1, 1]} : vector<16x256xf32> to vector<8x256xf32>
    %custom_jvp_call3A = arith.constant 0.000000e+00 : f32
    %max3A = vector.broadcast %custom_jvp_call3A : f32 to vector<8x256xf32>
    %max3A_15 = arith.maximumf %slice3A_14, %max3A : vector<8x256xf32>
    %sub3A = vector.broadcast %custom_jvp_call3A : f32 to vector<8x256xf32>
    %sub3A_16 = arith.subf %slice3A_14, %sub3A : vector<8x256xf32>
    %ne3A = arith.cmpf one, %sub3A_16, %sub3A_16 : vector<8x256xf32>
    %add3A_17 = vector.broadcast %custom_jvp_call3A : f32 to vector<8x256xf32>
    %add3A_18 = arith.addf %slice3A_14, %add3A_17 : vector<8x256xf32>
    %abs3A = math.absf %sub3A_16 : vector<8x256xf32>
    %neg3A = arith.constant 0.000000e+00 : f32
    %neg3A_19 = vector.broadcast %neg3A : f32 to vector<8x256xf32>
    %neg3A_20 = arith.subf %neg3A_19, %abs3A : vector<8x256xf32>
    %exp3A = math.exp %neg3A_20 : vector<8x256xf32>
    %log1p3A = math.log1p %exp3A : vector<8x256xf32>
    %add3A_21 = arith.addf %max3A_15, %log1p3A : vector<8x256xf32>
    %select_n3A = arith.select %ne3A, %add3A_18, %add3A_21 : vector<8x256xi1>, vector<8x256xf32>
    %mul3A = arith.mulf %transpose3A_13, %select_n3A : vector<8x256xf32>
    %add3A_22 = arith.addf %slice3A, %mul3A : vector<8x256xf32>
    %broadcast_in_dim3A = vector.shape_cast %add3A_22 : vector<8x256xf32> to vector<1x8x256xf32>
    %swap3A = arith.constant 0 : index
    %swap3A_23 = arith.constant 0 : index
    %swap3A_24 = arith.constant 0 : index
    %swap3A_25 = vector.load %arg5[%swap3A, %swap3A_23, %swap3A_24] : memref<1x8x256xf32, #tpu.memory_space<vmem>>, vector<1x8x256xf32>
    tpu.vector_store %arg5[%swap3A, %swap3A_23, %swap3A_24], %broadcast_in_dim3A {strides = array<i32>} : memref<1x8x256xf32, #tpu.memory_space<vmem>>, vector<1x8x256xf32>,
    return
  }
  func.func @transform_0(%arg0: i32) -> (i32, i32) {
    %c0_i32 = arith.constant 0 : i32
    %c0_i32_0 = arith.constant 0 : i32
    return %arg0, %c0_i32 : i32, i32
  }
  func.func @transform_1(%arg0: i32) -> (i32, i32) {
    %c0_i32 = arith.constant 0 : i32
    %c0_i32_0 = arith.constant 0 : i32
    %c0_i32_1 = arith.constant 0 : i32
    return %c0_i32, %c0_i32_0 : i32, i32
  }
  func.func @transform_2(%arg0: i32) -> (i32, i32) {
    %c0_i32 = arith.constant 0 : i32
    %c0_i32_0 = arith.constant 0 : i32
    %c0_i32_1 = arith.constant 0 : i32
    return %c0_i32, %c0_i32_0 : i32, i32
  }
  func.func @transform_3(%arg0: i32) -> (i32, i32) {
    %c0_i32 = arith.constant 0 : i32
    %c0_i32_0 = arith.constant 0 : i32
    return %arg0, %c0_i32 : i32, i32
  }
  func.func @transform_4(%arg0: i32) -> (i32, i32, i32) {
    %c0_i32 = arith.constant 0 : i32
    %c0_i32_0 = arith.constant 0 : i32
    %c0_i32_1 = arith.constant 0 : i32
    return %arg0, %c0_i32, %c0_i32_0 : i32, i32, i32
  }
}

</mosaic_0001>

<sc_bundles>
// kernel: kernel.6.cloned.1.call-start
scs
__scs_entry_jumppad:
0x0: {  	(pc) =	sbr.rel $0x88, $3  }
0x1: {  	(tag) =	ssettag $0x0;
	lr =	simm.s32 $0x1  }
0x2: {  	[smem:$0x3F9B] =	sst lr;
	_ =	strace $0xD0000000  }
0x3: {  	_ = 	snop  }
0x4: {  	_ = 	snop  }
0x5: {  	_ = 	snop  }
0x6: {  	_ = 	snop  }
0x7: {  	_ = 	snop  }
__scs_overlays_trampoline_lowered:
0x8: {  	[smem:$0x3FAA] =	sst s0  }
0x9: {  	[smem:$0x3FAB] =	sst s1  }
0xa: {  	[smem:$0x3FAC] =	sst s2  }
0xb: {  	[smem:$0x3FAD] =	sst s3  }
0xc: {  	[smem:$0x3FAE] =	sst s4  }
0xd: {  	[smem:$0x3FAF] =	sst s5  }
0xe: {  	[smem:$0x3FB0] =	sst s6  }
0xf: {  	[smem:$0x3FB1] =	sst s7  }
0x10: {  	[smem:$0x3FB2] =	sst s8  }
0x11: {  	[smem:$0x3FB3] =	sst s9;
	s0 =	simm.s32 @!p0 $0x0  }
0x12: {  	s1 =	sld [smem:$0x3F99];
	s0 =	simm.s32 @p0 $0x1  }
0x13: {  	[smem:$0x3FB4] =	sst s0;
	s0 =	simm.s32 @!p1 $0x0  }
0x14: {  	s2 =	sld [smem:$0x3F98];
	s0 =	simm.s32 @p1 $0x1  }
0x15: {  	[smem:$0x3FB5] =	sst s0;
	s0 =	simm.s32 @!p2 $0x0  }
0x16: {  	s3 =	sld [smem:$0x3FDB];
	s0 =	simm.s32 @p2 $0x1  }
0x17: {  	s4 =	simm.s32 $0x1BF5;
	[smem:$0x3FB7] =	sst s0  }
0x18: {  	s0 =	sld [smem:$0x3F9A];
	_ =	swait.ge [sflag:s4], $0x0  }
0x19: {  	s7 =	sld [smem:$0x3F9B]  }
0x1a: {  	s8 =	sadd.s32 $0xFFFFE003, lr  }
0x1b: {  	s9 =	sadd.s32 $0xFFFFFEF7, lr;
	s5 =	simm.s32 $0xFFFFFFFF;
	p2 =	slt.u32 s8, $0xFFFFF086  }
0x1c: {  	p1 =	slt.u32 s9, $0xF7A;
	s5 =	simm.s32 @!p2 $0x0  }
0x1d: {  	s5 =	simm.s32 @p1 $0x1;
	p0 =	seq.s32 s7, s2  }
0x1e: {  	s7 =	smul.u32 @!p0 $0xF7A, s2;
	p2 =	seq.s32 @!p0 s5, $0x0  }
0x1f: {  	s9 =	smul.u32 $0xF7A, s1;
	s8 =	simm.s32 @!p0 $0x1BF5;
	p2 =	por !p2, p0  }
0x20: {  	[sflag:s8] =	ssyncset.s32 @!p0 $0xFFFFF086;
	s6 =	sadd.s32 @!p0 s3, s7;
	s7 =	simm.s32 @!p0 $0x108  }
0x21: {  	s3 =	sadd.s32 s3, s9;
	s6 =	sadd.s32 @!p0 $0x88, s6;
	s7 =	simm.s32 @p2 $0x1082  }
0x22: {  	[simem:s7], [sflag:s8] =	dma.local @!p0 [hbm:s6], $0xF7A  }
0x23: {  	s9 =	sor.u32 $0xD0000000, s2;
	s6 =	simm.s32 $0x108;
	_ =	swait.ge @!p0 [sflag:s8], $0x0  }
0x24: {  	s3 =	sadd.s32 $0x88, s3;
	s6 =	simm.s32 @!p1 $0x1082;
	[sflag:s4] =	ssyncset.s32 $0xFFFFF086  }
0x25: {  	[simem:s6], [sflag:s4] =	dma.local [hbm:s3], $0xF7A  }
0x26: {  	[smem:$0x3F9B] =	sst s1;
	(tag) =	ssettag s2;
	_ =	strace s9  }
0x27: {  	s1 =	sld [smem:$0x3FAB]  }
0x28: {  	s2 =	sld [smem:$0x3FAC]  }
0x29: {  	s4 =	sld [smem:$0x3FAE]  }
0x2a: {  	p0 =	seq.s32 s5, $0x0;
	s5 =	sld [smem:$0x3FAF]  }
0x2b: {  	s6 =	sld [smem:$0x3FB0]  }
0x2c: {  	s7 =	sld [smem:$0x3FB1]  }
0x2d: {  	s3 =	simm.s32 $0x108;
	s8 =	sld [smem:$0x3FB2]  }
0x2e: {  	s3 =	simm.s32 @!p0 $0x1082;
	s9 =	sld [smem:$0x3FB3]  }
0x2f: {  	lr =	sadd.s32 s0, s3;
	s0 =	sld [smem:$0x3FAA]  }
0x30: {  	s3 =	sld [smem:$0x3FAD]  }
0x31: {  	[smem:$0x3FB6] =	sst s10  }
0x32: {  	s10 =	sld [smem:$0x3FB4];
	_ =	sdelay $0x3  }
0x33: {  	p0 =	seq.s32 s10, $0x1;
	s10 =	sld [smem:$0x3FB6];
	_ =	sdelay $0x3  }
0x34: {  	[smem:$0x3FB6] =	sst s10  }
0x35: {  	s10 =	sld [smem:$0x3FB5];
	_ =	sdelay $0x3  }
0x36: {  	p1 =	seq.s32 s10, $0x1;
	s10 =	sld [smem:$0x3FB6];
	_ =	sdelay $0x3  }
0x37: {  	[smem:$0x3FB6] =	sst s10  }
0x38: {  	s10 =	sld [smem:$0x3FB7]  }
0x39: {  	_ = 	snop;
	(pc) =	sbr.ind lr, $3  }
0x3a: {  	_ = 	snop  }
0x3b: {  	_ = 	snop  }
0x3c: {  	p2 =	seq.s32 s10, $0x1;
	s10 =	sld [smem:$0x3FB6]  }
0x3d: {  	_ =	shalt  }
0x3e: {  	_ =	shalt  }
0x3f: {  	_ =	shalt  }
0x40: {  	_ =	shalt  }
0x41: {  	_ =	shalt  }
0x42: {  	_ =	shalt  }
0x43: {  	_ =	shalt  }
0x44: {  	_ =	shalt  }
0x45: {  	_ =	shalt  }
0x46: {  	_ =	shalt  }
0x47: {  	_ =	shalt  }
0x48: {  	_ =	shalt  }
0x49: {  	_ =	shalt  }
0x4a: {  	_ =	shalt  }
0x4b: {  	_ =	shalt  }
0x4c: {  	_ =	shalt  }
0x4d: {  	_ =	shalt  }
0x4e: {  	_ =	shalt  }
0x4f: {  	_ =	shalt  }
0x50: {  	_ =	shalt  }
0x51: {  	_ =	shalt  }
0x52: {  	_ =	shalt  }
0x53: {  	_ =	shalt  }
0x54: {  	_ =	shalt  }
0x55: {  	_ =	shalt  }
0x56: {  	_ =	shalt  }
0x57: {  	_ =	shalt  }
0x58: {  	_ =	shalt  }
0x59: {  	_ =	shalt  }
0x5a: {  	_ =	shalt  }
0x5b: {  	_ =	shalt  }
0x5c: {  	_ =	shalt  }
0x5d: {  	_ =	shalt  }
0x5e: {  	_ =	shalt  }
0x5f: {  	_ =	shalt  }
0x60: {  	_ =	shalt  }
0x61: {  	_ =	shalt  }
0x62: {  	_ =	shalt  }
0x63: {  	_ =	shalt  }
0x64: {  	_ =	shalt  }
0x65: {  	_ =	shalt  }
0x66: {  	_ =	shalt  }
0x67: {  	_ =	shalt  }
0x68: {  	_ =	shalt  }
0x69: {  	_ =	shalt  }
0x6a: {  	_ =	shalt  }
0x6b: {  	_ =	shalt  }
0x6c: {  	_ =	shalt  }
0x6d: {  	_ =	shalt  }
0x6e: {  	_ =	shalt  }
0x6f: {  	_ =	shalt  }
0x70: {  	_ =	shalt  }
0x71: {  	_ =	shalt  }
0x72: {  	_ =	shalt  }
0x73: {  	_ =	shalt  }
0x74: {  	_ =	shalt  }
0x75: {  	_ =	shalt  }
0x76: {  	_ =	shalt  }
0x77: {  	_ =	shalt  }
0x78: {  	_ =	shalt  }
0x79: {  	_ =	shalt  }
0x7a: {  	_ =	shalt  }
0x7b: {  	_ =	shalt  }
0x7c: {  	_ =	shalt  }
0x7d: {  	_ =	shalt  }
0x7e: {  	_ =	shalt  }
0x7f: {  	_ =	shalt  }
0x80: {  	_ =	shalt  }
0x81: {  	_ =	shalt  }
0x82: {  	_ =	shalt  }
0x83: {  	_ =	shalt  }
0x84: {  	_ =	shalt  }
0x85: {  	_ =	shalt  }
0x86: {  	_ =	shalt  }
0x87: {  	_ =	shalt  }
.Lfunc_end0:
.L_simem_size_0:
called_computation_lowered:
.L_overlay_start_0:
0x88: {  	s2 =	sld [smem:$0x3FD9]  }
0x89: {  	s3 =	sld [smem:$0x3FFE];
	_ =	sdelay $0x1  }
0x8a: {  	s1 =	srdreg.scid  }
0x8b: {  	s0 =	sand.u32 $0x1, s1  }
0x8c: {  	s17 =	sshll.u32 s0, $0xA;
	s2 =	sadd.s32 s3, s2  }
0x8d: {  	s2 =	sadd.s32 s2, s17  }
0x8e: {  	[smem:$0x3FC2] =	sst s2  }
0x8f: {  	_ = 	snop  }
0x90: {  	(tm) =	ssettm $0x1  }
0x91: {  	s18 =	sld [smem:$0x3FFB];
	_ =	sdelay $0x3  }
0x92: {  	_ =	strace s18  }
0x93: {  	s2 =	sld [smem:$0x3FFC];
	_ =	sdelay $0x3  }
0x94: {  	_ =	strace s2  }
0x95: {  	s2 =	sld [smem:$0x3FFD];
	_ =	sdelay $0x3  }
0x96: {  	_ =	strace s2  }
0x97: {  	_ =	strace $0x8FFFFFFF  }
0x98: {  	s19 =	sld [smem:$0x3FDB];
	_ =	sdelay $0x1  }
0x99: {  	s20 =	simm.s32 $_scs_section_size  }
0x9a: {  	s4 =	simm.s32 $_size__tile_overlayer_lowered;
	s5 =	simm.s32 $_tile_overlayer_lowered  }
0x9b: {  	s6 =	simm.s32 $0x1BFF;
	s21 =	sshll.u32 s5, $0x1;
	s3 =	sadd.s32 s20, s19  }
0x9c: {  	s22 =	simm.s32 $0x0;
	s4 =	sshll.u32 s4, $0x1;
	s5 =	sadd.s32 s21, s3  }
0x9d: {  	[timem:s22], [sflag:s6] =	dma.local [hbm:s5], s4  }
0x9e: {  	_ =	swait.ge [sflag:s6], s4  }
0x9f: {  	s4 =	ssub.s32 $0x0, s4;
	[sflag:s6] =	ssyncset.done $0x0  }
0xa0: {  	[sflag:s6] =	ssyncadd.s32 s4;
	_ =	sdelay $0x1  }
0xa1: {  	s23 =	simm.s32 $0x1B8B  }
0xa2: {  	_ =	swait.ge [sflag:s23], $0x1  }
0xa3: {  	[sflag:s23] =	ssyncset.done $0x0  }
0xa4: {  	[sflag:s23] =	ssyncadd.s32 $0xFFFFFFFF  }
0xa5: {  	s4 =	sld [smem:$0x0]  }
0xa6: {  	s5 =	sand.u32 $0xFFFFFFFE, s1  }
0xa7: {  	p0 =	sne.s32 s1, s5  }
0xa8: {  	s5 =	sshll.u32 @p0 s5, $0xE  }
0xa9: {  	s5 =	sadd.s32 @p0 $0x11B8D, s5;
	s6 =	sshll.u32 @p0 s4, $0x11  }
0xaa: {  	s5 =	sor.u32 @p0 s6, s5  }
0xab: {  	[sflag:s5] =	ssyncadd.remote.s32 @p0 $0x1;
	_ =	sdelay $0x1  }
0xac: {  	s5 =	simm.s32 @p0 $0x1B8D  }
0xad: {  	_ =	swait.eq @p0 [sflag:s5], $0x1  }
0xae: {  	[sflag:s5] =	ssyncadd.s32 @p0 $0xFFFFFFFF  }
0xaf: {  	s6 =	sshll.u32 @!p0 s1, $0xE  }
0xb0: {  	s6 =	sor.u32 @!p0 $0x4000, s6;
	s5 =	simm.s32 @!p0 $0x1B8D  }
0xb1: {  	s4 =	sshll.u32 @!p0 s4, $0x11;
	s6 =	sadd.s32 @!p0 $0x11B8D, s6;
	_ =	swait.eq @!p0 [sflag:s5], $0x1  }
0xb2: {  	s4 =	sor.u32 @!p0 s4, s6;
	[sflag:s5] =	ssyncadd.s32 @!p0 $0xFFFFFFFF  }
0xb3: {  	s25 =	simm.s32 $0x1B8E;
	s24 =	sld [smem:$0x3FFE];
	[sflag:s4] =	ssyncadd.remote.s32 @!p0 $0x1  }
0xb4: {  	s26 =	simm.s32 $execute0_lowered;
	[smem:$0x3FD2] =	sst s25  }
0xb5: {  	s5 =	sshll.u32 s26, $0x1;
	_ =	strace $0x80000049;
	[dreg:$0x1] =	wrdreg $0xFFFFFFFF  }
0xb6: {  	s28 =	simm.s32 $_size_execute0_lowered;
	s3 =	sadd.s32 s3, s5;
	[dreg:$0x0] =	wrdreg $0x0  }
0xb7: {  	s5 =	sshll.u32 s28, $0x1;
	[dreg:$0x2] =	wrdreg s3  }
0xb8: {  	[dreg:$0x3] =	wrdreg s5  }
0xb9: {  	[dreg:$0x4] =	wrdreg $0xC0  }
0xba: {  	_ =	task [dreg:s22], $0x5FFFF  }
0xbb: {  	[dreg:$0x1] =	wrdreg $0xFFFFFFFF  }
0xbc: {  	[dreg:$0x0] =	wrdreg $0x60  }
0xbd: {  	[dreg:$0x2] =	wrdreg s24  }
0xbe: {  	[dreg:$0x3] =	wrdreg $0x9  }
0xbf: {  	_ =	task.clear_ibuf [dreg:s22], $0x4FFFF;
	_ =	strace $0x90000049  }
0xc0: {  	s29 =	simm.s32 $0x9;
	_ =	strace $0x8000004B  }
0xc1: {  	_ =	swait.ge [sflag:s29], $0x1  }
0xc2: {  	[sflag:s29] =	ssyncadd.s32 $0xFFFFFFFF  }
0xc3: {  	_ =	strace $0x9000004B  }
0xc4: {  	_ =	sfence  }
0xc5: {  	s30 =	sld [smem:$0x0];
	_ =	sdelay $0x2  }
0xc6: {  	s31 =	sshll.u32 s1, $0xD;
	s1 =	sshrl.u32 s1, $0x2  }
0xc7: {  	s4 =	sand.u32 $0x4000, s31;
	s1 =	sadd.s32 s1, s30  }
0xc8: {  	s0 =	sor.u32 s4, s0;
	s1 =	sshll.u32 s1, $0x11  }
0xc9: {  	s0 =	sor.u32 s1, s0  }
0xca: {  	s0 =	sadd.s32 $0x8F2B, s0  }
0xcb: {  	[sflag:s0] =	ssyncadd.remote.s32 $0x1  }
0xcc: {  	_ =	sfence.sel $0xFFFF  }
0xcd: {  	[dreg:$0x0] =	wrdreg $0xFFFFFFFF;
	(pc) =	sbr.abs _section_cstart, $3  }
0xce: {  	[dreg:$0x1] =	wrdreg $0xFFFFFFFF  }
0xcf: {  	_ =	task.clear_ibuf [dreg:s22], $0x2FFFF;
	_ =	strace $0x9FFFFFFF  }
0xd0: {  	(tm) =	ssettm $0x7FFFFFFF  }
0xd1: {  	_ =	shalt  }
tec
execute0_lowered:
.L_overlay_start_1:
0x0: {  	(tag) =	ssettag $0x1  }
0x1: {  	s3 =	rddreg [dreg:$0x0]  }
0x2: {  	s0 =	rddreg [dreg:$0x1];
	s4 =	srdreg.scid  }
0x3: {  	s1 =	stileid.u32;
	s2 =	simm.s32 $0x0;
	s8 =	simm.s32 $0x1  }
0x4: {  	s9 =	simm.s32 $0x800;
	s10 =	simm.s32 $0x1000;
	s11 =	simm.s32 $0x1200  }
0x5: {  	s4 =	sand.u32 $0x1, s4;
	s5 =	sshll.u32 s1, $0x1;
	[smem:$0x7FF] =	sst s2  }
0x6: {  	s12 =	simm.s32 $0x0;
	s5 =	sor.u32 s4, s5;
	_ =	strace $0x8000004A  }
0x7: {  	s4 =	ssub.s32 $0x2, s4;
	s6 =	sshll.u32 s5, $0x8;
	s5 =	sshll.u32 s5, $0x6  }
0x8: {  	s7 =	sshrl.u32 s4, $0x1;
	s6 =	sadd.s32 s6, s3;
	s5 =	sadd.s32 s5, s3  }
0x9: {  	s7 =	ssub.s32 s4, s7;
	s3 =	sadd.s32 $0x5600, s6;
	s4 =	sadd.s32 $0x9600, s6  }
0xa: {  	v0 =	vimm.s32 $0x0;
	v1 =	vimm.f32 $0.0e+00;
	s5 =	sadd.s32 $0xB600, s5;
	s6 =	sadd.s32 $0x7600, s6;
	s7 =	smax.u32 s7, $0x1  }
.LBB2_1:
0xb: {  	[tilespmem:s2], [sflag:$0x1] =	stream.linear.gather [hbm4b:s3+s2], $0x800, $0x38;
	[tilespmem:$0x1A00] =	vst v63  }
0xc: {  	s13 =	sand.u32 $0xFFFFFC00, s2;
	_ =	swait.ge [sflag:s8], $0x800  }
0xd: {  	s14 =	sand.u32 $0x7FFFFC00, s2;
	s19 =	sadd.s32 $0x0, s13;
	[sflag:s8] =	ssyncset.done $0x0  }
0xe: {  	s13 =	sand.u32 $0x70, s2;
	s16 =	sor.u32 $0x80, s19;
	[sflag:s8] =	ssyncadd.s32 $0xFFFFF800  }
0xf: {  	s17 =	sor.u32 s13, s14;
	v2 =	vld [tilespmem:s16+$0x0]  }
0x10: {  	v3 =	vld [tilespmem:s17+$0x0]  }
0x11: {  	v4 =	vld [tilespmem:s17+$0x100];
	_ =	sdelay $0x1  }
0x12: {  	s15 =	sor.u32 $0x180, s19  }
0x13: {  	v5 =	vld [tilespmem:s15+$0x0]  }
0x14: {  	v6 =	vmin.f32 v3, v2  }
0x15: {  	v7 =	vmax.f32 v3, v2;
	vm3 =	vgt.f32 v4, v6  }
0x16: {  	v8 =	vld [tilespmem:s17+$0x200];
	vm2 =	vgt.f32 v4, v7;
	v6 =	vsel vm3, v4, v6  }
0x17: {  	v6 =	vsel vm2, v7, v6  }
0x18: {  	s18 =	sor.u32 $0x280, s19;
	v4 =	vsel vm2, v4, v7;
	vm5 =	vgt.f32 v5, v6  }
0x19: {  	v7 =	vld [tilespmem:s18+$0x0];
	vm4 =	vgt.f32 v5, v4;
	v6 =	vsel vm5, v5, v6  }
0x1a: {  	v6 =	vsel vm4, v4, v6  }
0x1b: {  	v4 =	vsel vm4, v5, v4;
	vm6 =	vgt.f32 v8, v6  }
0x1c: {  	v5 =	vld [tilespmem:s17+$0x300];
	vm7 =	vgt.f32 v8, v4;
	v6 =	vsel vm6, v8, v6  }
0x1d: {  	v6 =	vsel vm7, v4, v6  }
0x1e: {  	s19 =	sor.u32 $0x380, s19;
	v4 =	vsel vm7, v8, v4;
	vm9 =	vgt.f32 v7, v6  }
0x1f: {  	v8 =	vld [tilespmem:s19+$0x0];
	vm8 =	vgt.f32 v7, v4;
	v6 =	vsel vm9, v7, v6  }
0x20: {  	v6 =	vsel vm8, v4, v6  }
0x21: {  	v4 =	vsel vm8, v7, v4;
	vm10 =	vgt.f32 v5, v6  }
0x22: {  	vm1 =	vgt.f32 v5, v4;
	v6 =	vsel vm10, v5, v6  }
0x23: {  	v6 =	vsel vm1, v4, v6  }
0x24: {  	v4 =	vsel vm1, v5, v4;
	vm11 =	vgt.f32 v8, v6  }
0x25: {  	vm0 =	vgt.f32 v8, v4;
	v5 =	vsel vm11, v8, v6  }
0x26: {  	v5 =	vsel vm0, v4, v5;
	v4 =	vsel vm0, v8, v4  }
0x27: {  	v4 =	vsub.f32 v5, v4  }
0x28: {  	vm12 =	vgt.f32 v2, v3  }
0x29: {  	vm13 =	vmneg vm12;
	v4 =	vmul.f32 $1.442695020e+00, v4  }
0x2a: {  	v2 =	vsel vm13, $0x1, v0  }
0x2b: {  	v3 =	vsel vm12, $0x1, v0;
	v2 =	vsel vm3, $0x2, v2;
	(erf) = vpow2.f32 v4  }
0x2c: {  	v2 =	vsel vm2, v3, v2  }
0x2d: {  	v3 =	vsel vm2, $0x2, v3;
	v2 =	vsel vm5, $0x3, v2  }
0x2e: {  	v2 =	vsel vm4, v3, v2  }
0x2f: {  	v17 =	vimm.f32 $0.0e+00;
	v3 =	vsel vm4, $0x3, v3;
	v2 =	vsel vm6, $0x4, v2  }
0x30: {  	v13 =	vimm.f32 $0.0e+00;
	v16 =	vimm.f32 $0.0e+00;
	v2 =	vsel vm7, v3, v2  }
0x31: {  	v15 =	vimm.f32 $0.0e+00;
	v3 =	vsel vm7, $0x4, v3;
	v2 =	vsel vm9, $0x5, v2  }
0x32: {  	v11 =	vimm.f32 $0.0e+00;
	v10 =	vimm.f32 $0.0e+00;
	v2 =	vsel vm8, v3, v2  }
0x33: {  	v14 =	vimm.f32 $0.0e+00;
	v3 =	vsel vm8, $0x5, v3;
	v2 =	vsel vm10, $0x6, v2  }
0x34: {  	v7 =	vimm.f32 $0.0e+00;
	v2 =	vsel vm1, v3, v2;
	v3 =	vsel vm1, $0x6, v3;
	v4 =	vpop (erf)  }
0x35: {  	v2 =	vsel vm11, $0x7, v2;
	v19 =	vsel vm0, $0x7, v3;
	v5 =	vadd.f32 $1.000000000e+00, v4  }
0x36: {  	vm4 =	vmneg vm0;
	v18 =	vsel vm0, v3, v2;
	vm7 =	veq.s32 v19, $0x3  }
0x37: {  	vm9 =	veq.s32 v19, $0x1;
	vm11 =	veq.s32 v19, $0x0;
	(erf) = vrcp.f32 v5  }
0x38: {  	vm6 =	veq.s32 v19, $0x2;
	vm8 =	vmand vm4, vm1;
	vm4 =	veq.s32 v19, $0x5  }
0x39: {  	v8 =	vimm.f32 $0.0e+00;
	vm10 =	veq.s32 v18, $0x1;
	vm5 =	veq.s32 v18, $0x2  }
0x3a: {  	vm13 =	veq.s32 v18, $0x0;
	vm12 =	veq.s32 v18, $0x3;
	vm14 =	veq.s32 v18, $0x6  }
0x3b: {  	vm15 =	veq.s32 v18, $0x7;
	vm2 =	vmor vm9, vm10;
	vm3 =	vmor vm6, vm5  }
0x3c: {  	vm1 =	vmor vm8, vm14;
	v2 =	vsel vm2, $0x3F800000, v1;
	v3 =	vsel vm3, $0x3F800000, v1  }
0x3d: {  	vm2 =	vmor vm7, vm12;
	vm3 =	vmor vm11, vm13;
	v9 =	vadd.f32 v2, v1  }
0x3e: {  	v6 =	vadd.f32 v3, v1;
	v2 =	vsel vm2, $0x3F800000, v1;
	v3 =	vsel vm3, $0x3F800000, v1  }
0x3f: {  	vm2 =	veq.s32 v19, $0x4;
	v5 =	vadd.f32 v2, v1;
	v2 =	vimm.s32 $0x0  }
0x40: {  	v12 =	vadd.f32 v3, v1;
	v3 =	vimm.f32 $0.0e+00;
	v2 =	vsel vm1, $0xFFFFFFFF, v2;
	v20 =	vpop (erf)  }
0x41: {  	s21 =	simm.s32 $0x80;
	s22 =	simm.s32 $0x100;
	s20 =	simm.s32 $0x10;
	[tilespmem:$0x1FFF0] =	vst v2;
	v2 =	vimm.f32 $0.0e+00;
	v21 =	vmul.f32 v20, v4;
	v4 =	vimm.f32 $0.0e+00  }
.LBB2_2:
0x42: {  	v22 =	vimm.s32 $0x0  }
0x43: {  	v22 =	vsel vm8, $0xFFFFFFFF, v22  }
0x44: {  	vm8 =	vmmov vm0;
	vm0 =	vmor vm0, vm15;
	[tilespmem:$0x1FFD0] =	vst v22;
	v22 =	vimm.s32 $0x0  }
0x45: {  	v22 =	vsel vm0, $0xFFFFFFFF, v22  }
0x46: {  	vm1 =	veq.s32 v18, $0x4;
	v29 =	vld [tilespmem:$0x1FFD0];
	[tilespmem:$0x1FFE0] =	vst v22;
	v22 =	vnsel vm13, $0x0, v21  }
0x47: {  	vm3 =	vmmov vm2;
	v23 =	vnsel vm10, $0x0, v21;
	v22 =	vsel vm11, v20, v22  }
0x48: {  	vm2 =	veq.s32 v18, $0x5;
	v25 =	vnsel vm5, $0x0, v21;
	v23 =	vsel vm9, v20, v23;
	[tilespmem:s17+$0x800] =	vst v22  }
0x49: {  	v24 =	vnsel vm12, $0x0, v21;
	v26 =	vnsel vm1, $0x0, v21;
	v25 =	vsel vm6, v20, v25;
	[tilespmem:s16+$0x800] =	vst v23  }
0x4a: {  	v27 =	vnsel vm2, $0x0, v21;
	v28 =	vnsel vm14, $0x0, v21;
	v24 =	vsel vm7, v20, v24;
	[tilespmem:s17+$0x900] =	vst v25  }
0x4b: {  	v26 =	vsel vm3, v20, v26;
	v27 =	vsel vm4, v20, v27;
	vm0 =	vnez.u8 v29;
	[tilespmem:s15+$0x800] =	vst v24  }
0x4c: {  	v21 =	vnsel vm15, $0x0, v21;
	v28 =	vsel vm0, v20, v28;
	vm0 =	vmor vm3, vm1;
	[tilespmem:s17+$0xA00] =	vst v26  }
0x4d: {  	v20 =	vsel vm8, v20, v21;
	v21 =	vsel vm0, $0x3F800000, v1;
	[tilespmem:s18+$0x800] =	vst v27  }
0x4e: {  	v11 =	vadd.f32 v21, v11;
	v21 =	vld [tilespmem:$0x1FFF0];
	[tilespmem:s17+$0xB00] =	vst v28  }
0x4f: {  	v2 =	vadd.f32 v20, v2;
	[tilespmem:s19+$0x800] =	vst v20;
	v20 =	vld [tilespmem:$0x1FFE0]  }
0x50: {  	s23 =	sand.u32 $0xFFFFFC00, s21;
	s14 =	sshrl.u32 s14, $0x2  }
0x51: {  	s23 =	sadd.s32 s23, s20;
	s31 =	sor.u32 s13, s14  }
0x52: {  	s25 =	sor.u32 $0x80, s23;
	[tilespmem:s31+$0x1000] =	vst v19  }
0x53: {  	s13 =	sand.u32 $0x70, s20;
	s14 =	sand.u32 $0x7FFFFC00, s21;
	s16 =	smov.u32 s25;
	[tilespmem:s31+$0x1080] =	vst v18;
	vm0 =	vnez.u8 v21  }
0x54: {  	s17 =	sor.u32 s13, s14;
	v18 =	vld [tilespmem:s16+$0x0];
	v21 =	vsel vm0, $0x3F800000, v1;
	vm0 =	vnez.u8 v20  }
0x55: {  	v19 =	vld [tilespmem:s17+$0x0];
	v20 =	vsel vm0, $0x3F800000, v1  }
0x56: {  	v4 =	vadd.f32 v20, v4;
	v20 =	vld [tilespmem:s17+$0x100]  }
0x57: {  	vm2 =	vmor vm4, vm2  }
0x58: {  	v17 =	vadd.f32 v22, v17;
	v22 =	vsel vm2, $0x3F800000, v1;
	s15 =	sor.u32 $0x180, s23  }
0x59: {  	v13 =	vadd.f32 v24, v13;
	v10 =	vadd.f32 v22, v10;
	v22 =	vld [tilespmem:s15+$0x0]  }
0x5a: {  	vm0 =	vgt.f32 v18, v19;
	v58 =	vmax.f32 v19, v18;
	v18 =	vmin.f32 v19, v18  }
0x5b: {  	vm1 =	vmneg vm0;
	v19 =	vsel vm0, $0x1, v0;
	vm0 =	vgt.f32 v20, v18  }
0x5c: {  	v59 =	vld [tilespmem:s17+$0x200];
	v60 =	vsel vm1, $0x1, v0;
	vm1 =	vgt.f32 v20, v58;
	v18 =	vsel vm0, v20, v18  }
0x5d: {  	v16 =	vadd.f32 v23, v16;
	v14 =	vadd.f32 v26, v14;
	v18 =	vsel vm1, v58, v18  }
0x5e: {  	s18 =	sor.u32 $0x280, s23;
	v26 =	vsel vm0, $0x2, v60;
	v20 =	vsel vm1, v20, v58;
	vm0 =	vgt.f32 v22, v18  }
0x5f: {  	v62 =	vld [tilespmem:s18+$0x0];
	v8 =	vadd.f32 v21, v8;
	vm2 =	vgt.f32 v22, v20;
	v18 =	vsel vm0, v22, v18  }
0x60: {  	v61 =	vsel vm1, v19, v26;
	v19 =	vsel vm1, $0x2, v19;
	v18 =	vsel vm2, v20, v18  }
0x61: {  	v24 =	vsel vm0, $0x3, v61;
	v20 =	vsel vm2, v22, v20;
	vm0 =	vgt.f32 v59, v18  }
0x62: {  	v21 =	vld [tilespmem:s17+$0x300];
	v22 =	vsel vm2, v19, v24;
	vm1 =	vgt.f32 v59, v20;
	v18 =	vsel vm0, v59, v18  }
0x63: {  	v19 =	vsel vm2, $0x3, v19;
	v22 =	vsel vm0, $0x4, v22;
	v18 =	vsel vm1, v20, v18  }
0x64: {  	s19 =	sor.u32 $0x380, s23;
	v22 =	vsel vm1, v19, v22;
	v20 =	vsel vm1, v59, v20;
	vm0 =	vgt.f32 v62, v18  }
0x65: {  	v23 =	vld [tilespmem:s19+$0x0];
	v19 =	vsel vm1, $0x4, v19;
	vm1 =	vgt.f32 v62, v20;
	v18 =	vsel vm0, v62, v18  }
0x66: {  	v22 =	vsel vm0, $0x5, v22;
	v18 =	vsel vm1, v20, v18  }
0x67: {  	v22 =	vsel vm1, v19, v22;
	v20 =	vsel vm1, v62, v20;
	vm0 =	vgt.f32 v21, v18  }
0x68: {  	v19 =	vsel vm1, $0x5, v19;
	vm1 =	vgt.f32 v21, v20;
	v18 =	vsel vm0, v21, v18  }
0x69: {  	v22 =	vsel vm0, $0x6, v22;
	v18 =	vsel vm1, v20, v18  }
0x6a: {  	v21 =	vsel vm1, v21, v20;
	v22 =	vsel vm1, v19, v22;
	vm2 =	vgt.f32 v23, v18  }
0x6b: {  	v20 =	vsel vm1, $0x6, v19;
	vm0 =	vgt.f32 v23, v21;
	v18 =	vsel vm2, v23, v18  }
0x6c: {  	v22 =	vsel vm2, $0x7, v22;
	v63 =	vsel vm0, v21, v18;
	v21 =	vsel vm0, v23, v21  }
0x6d: {  	v19 =	vsel vm0, $0x7, v20;
	v18 =	vsel vm0, v20, v22;
	v20 =	vsub.f32 v63, v21;
	_ =	sdelay $0x1  }
0x6e: {  	v20 =	vmul.f32 $1.442695020e+00, v20;
	_ =	sdelay $0x1  }
0x6f: {  	(erf) = vpow2.f32 v20;
	_ =	sdelay $0x3  }
0x70: {  	vm6 =	veq.s32 v19, $0x2;
	vm5 =	veq.s32 v18, $0x2  }
0x71: {  	vm3 =	vmneg vm0;
	vm4 =	vmor vm6, vm5  }
0x72: {  	vm9 =	veq.s32 v19, $0x1;
	vm10 =	veq.s32 v18, $0x1;
	v21 =	vsel vm4, $0x3F800000, v1  }
0x73: {  	vm7 =	veq.s32 v19, $0x3;
	vm12 =	veq.s32 v18, $0x3;
	vm2 =	vmor vm9, vm10  }
0x74: {  	vm8 =	vmand vm3, vm1;
	vm1 =	vmor vm7, vm12;
	v20 =	vsel vm2, $0x3F800000, v1  }
0x75: {  	v6 =	vadd.f32 v21, v6;
	v9 =	vadd.f32 v20, v9;
	v20 =	vsel vm1, $0x3F800000, v1;
	v21 =	vpop (erf)  }
0x76: {  	v5 =	vadd.f32 v20, v5;
	v20 =	vadd.f32 $1.000000000e+00, v21;
	_ =	sdelay $0x1  }
0x77: {  	(erf) = vrcp.f32 v20;
	_ =	sdelay $0x3  }
0x78: {  	vm11 =	veq.s32 v19, $0x0;
	vm13 =	veq.s32 v18, $0x0  }
0x79: {  	p0 =	sne.s32 s22, $0x780;
	vm1 =	vmor vm11, vm13  }
.Ltmp0:
0x7a: {  	v20 =	vsel vm1, $0x3F800000, v1;
	(pc) =	sbr.rel @p0 .LBB2_2-.Ltmp0, $4  }
0x7b: {  	v7 =	vadd.f32 v27, v7;
	v15 =	vadd.f32 v25, v15;
	vm14 =	veq.s32 v18, $0x6  }
0x7c: {  	v3 =	vadd.f32 v28, v3;
	v22 =	vimm.s32 $0x0;
	vm1 =	vmor vm8, vm14  }
0x7d: {  	s24 =	smov.u32 s22;
	vm15 =	veq.s32 v18, $0x7;
	v12 =	vadd.f32 v20, v12;
	v22 =	vsel vm1, $0xFFFFFFFF, v22;
	v20 =	vpop (erf)  }
0x7e: {  	s22 =	sadd.s32 $0x80, s22;
	s21 =	smov.u32 s24;
	s20 =	sadd.s32 $0x10, s20;
	vm4 =	veq.s32 v19, $0x5;
	vm2 =	veq.s32 v19, $0x4;
	[tilespmem:$0x1FFF0] =	vst v22;
	v21 =	vmul.f32 v20, v21  }
0x7f: {  	_ = 	snop  }
0x80: {  	vm1 =	veq.s32 v18, $0x4;
	v45 =	vimm.s32 $0x0;
	v22 =	vnsel vm13, $0x0, v21  }
0x81: {  	vm3 =	veq.s32 v18, $0x5;
	v23 =	vnsel vm10, $0x0, v21;
	v27 =	vsel vm11, v20, v22  }
0x82: {  	v47 =	vimm.s32 $0x0;
	v26 =	vsel vm9, v20, v23;
	v23 =	vsel vm1, $0xFFFFFFFF, v45;
	[tilespmem:s17+$0x800] =	vst v27  }
0x83: {  	v22 =	vsel vm3, $0xFFFFFFFF, v47;
	[tilespmem:$0x1FF60] =	vst v23  }
0x84: {  	v44 =	vnsel vm5, $0x0, v21;
	[tilespmem:$0x1FF50] =	vst v22  }
0x85: {  	v46 =	vnsel vm12, $0x0, v21;
	v25 =	vsel vm6, v20, v44;
	[tilespmem:s16+$0x800] =	vst v26  }
0x86: {  	v48 =	vnsel vm1, $0x0, v21;
	v24 =	vsel vm7, v20, v46;
	[tilespmem:s17+$0x900] =	vst v25  }
0x87: {  	v28 =	vnsel vm3, $0x0, v21;
	v23 =	vsel vm2, v20, v48;
	[tilespmem:s15+$0x800] =	vst v24  }
0x88: {  	v49 =	vnsel vm14, $0x0, v21;
	v22 =	vsel vm4, v20, v28;
	[tilespmem:s17+$0xA00] =	vst v23  }
0x89: {  	v29 =	vnsel vm15, $0x0, v21;
	v21 =	vsel vm8, v20, v49;
	[tilespmem:s18+$0x800] =	vst v22  }
0x8a: {  	s14 =	sshrl.u32 s14, $0x2;
	v20 =	vsel vm0, v20, v29;
	[tilespmem:s17+$0xB00] =	vst v21  }
0x8b: {  	s22 =	sand.u32 $0xFFFFFC00, s21;
	s23 =	sor.u32 s13, s14;
	[tilespmem:s19+$0x800] =	vst v20  }
0x8c: {  	s24 =	sadd.s32 s22, s20;
	[tilespmem:s23+$0x1000] =	vst v19  }
0x8d: {  	s26 =	sand.u32 $0x70, s20;
	s28 =	sand.u32 $0x7FFFFC00, s21;
	s25 =	sor.u32 $0x80, s24;
	[tilespmem:s23+$0x1080] =	vst v18  }
0x8e: {  	s29 =	sor.u32 s26, s28;
	v18 =	vld [tilespmem:s25+$0x0]  }
0x8f: {  	v19 =	vld [tilespmem:s29+$0x0]  }
0x90: {  	v50 =	vld [tilespmem:s29+$0x100];
	_ =	sdelay $0x1  }
0x91: {  	s30 =	sor.u32 $0x180, s24  }
0x92: {  	v51 =	vld [tilespmem:s30+$0x0]  }
0x93: {  	v30 =	vmin.f32 v19, v18  }
0x94: {  	v31 =	vmax.f32 v19, v18;
	vm3 =	vgt.f32 v50, v30  }
0x95: {  	v32 =	vld [tilespmem:s29+$0x200];
	vm5 =	vgt.f32 v50, v31;
	v30 =	vsel vm3, v50, v30  }
0x96: {  	v30 =	vsel vm5, v31, v30  }
0x97: {  	s31 =	sor.u32 $0x280, s24;
	v28 =	vsel vm5, v50, v31;
	vm10 =	vgt.f32 v51, v30  }
0x98: {  	v52 =	vld [tilespmem:s31+$0x0];
	vm9 =	vgt.f32 v51, v28;
	v30 =	vsel vm10, v51, v30  }
0x99: {  	v30 =	vsel vm9, v28, v30  }
0x9a: {  	v28 =	vsel vm9, v51, v28;
	vm1 =	vgt.f32 v32, v30  }
0x9b: {  	v53 =	vld [tilespmem:s29+$0x300];
	vm11 =	vgt.f32 v32, v28;
	v30 =	vsel vm1, v32, v30  }
0x9c: {  	v30 =	vsel vm11, v28, v30  }
0x9d: {  	s19 =	sor.u32 $0x380, s24;
	v28 =	vsel vm11, v32, v28;
	vm12 =	vgt.f32 v52, v30  }
0x9e: {  	v54 =	vld [tilespmem:s19+$0x0];
	vm13 =	vgt.f32 v52, v28;
	v30 =	vsel vm12, v52, v30  }
0x9f: {  	v55 =	vimm.s32 $0x0;
	v30 =	vsel vm13, v28, v30  }
0xa0: {  	v31 =	vsel vm2, $0xFFFFFFFF, v55;
	v28 =	vsel vm13, v52, v28;
	vm2 =	vgt.f32 v53, v30  }
0xa1: {  	vm6 =	vgt.f32 v53, v28;
	v30 =	vsel vm2, v53, v30  }
0xa2: {  	v30 =	vsel vm6, v28, v30  }
0xa3: {  	v28 =	vsel vm6, v53, v28;
	vm14 =	vgt.f32 v54, v30  }
0xa4: {  	vm7 =	vgt.f32 v54, v28;
	v56 =	vsel vm14, v54, v30  }
0xa5: {  	v29 =	vsel vm7, v28, v56;
	v28 =	vsel vm7, v54, v28  }
0xa6: {  	v28 =	vsub.f32 v29, v28;
	_ =	sdelay $0x1  }
0xa7: {  	v28 =	vmul.f32 $1.442695020e+00, v28;
	_ =	sdelay $0x1  }
0xa8: {  	(erf) = vpow2.f32 v28;
	_ =	sdelay $0x4  }
0xa9: {  	v57 =	vimm.s32 $0x0  }
0xaa: {  	v28 =	vsel vm15, $0xFFFFFFFF, v57;
	vm15 =	vgt.f32 v18, v19  }
0xab: {  	vm8 =	vmneg vm15  }
0xac: {  	v58 =	vsel vm8, $0x1, v0  }
0xad: {  	v19 =	vsel vm15, $0x1, v0;
	v18 =	vsel vm3, $0x2, v58;
	v59 =	vpop (erf)  }
0xae: {  	v62 =	vimm.s32 $0x0;
	v18 =	vsel vm5, v19, v18;
	v60 =	vadd.f32 $1.000000000e+00, v59  }
0xaf: {  	v35 =	vimm.s32 $0x0;
	v19 =	vsel vm5, $0x2, v19;
	v18 =	vsel vm10, $0x3, v18  }
0xb0: {  	v34 =	vimm.s32 $0x0;
	[tilespmem:$0x1FF40] =	vst v28;
	v18 =	vsel vm9, v19, v18;
	(erf) = vrcp.f32 v60  }
0xb1: {  	v17 =	vadd.f32 v27, v17;
	v41 =	vld [tilespmem:$0x1FF40];
	v19 =	vsel vm9, $0x3, v19;
	v18 =	vsel vm1, $0x4, v18  }
0xb2: {  	v16 =	vadd.f32 v26, v16;
	v15 =	vadd.f32 v25, v15;
	v18 =	vsel vm11, v19, v18  }
0xb3: {  	v13 =	vadd.f32 v24, v13;
	v19 =	vsel vm11, $0x4, v19;
	v18 =	vsel vm12, $0x5, v18  }
0xb4: {  	v3 =	vadd.f32 v21, v3;
	v7 =	vadd.f32 v22, v7;
	v18 =	vsel vm13, v19, v18  }
0xb5: {  	v2 =	vadd.f32 v20, v2;
	v19 =	vsel vm13, $0x5, v19;
	v18 =	vsel vm2, $0x6, v18  }
0xb6: {  	vm3 =	vnez.u8 v41;
	v18 =	vsel vm6, v19, v18;
	v19 =	vsel vm6, $0x6, v19  }
0xb7: {  	v18 =	vsel vm14, $0x7, v18;
	v61 =	vsel vm7, $0x7, v19;
	vm14 =	vmneg vm7  }
0xb8: {  	v18 =	vsel vm7, v19, v18;
	vm12 =	veq.s32 v61, $0x3;
	vm10 =	veq.s32 v61, $0x1  }
0xb9: {  	vm8 =	veq.s32 v61, $0x0;
	vm2 =	vmand vm14, vm6;
	vm6 =	veq.s32 v61, $0x2;
	v63 =	vpop (erf)  }
0xba: {  	[tilespmem:$0x1FF70] =	vst v31;
	v19 =	vsel vm12, $0xFFFFFFFF, v62;
	vm9 =	veq.s32 v18, $0x1;
	v28 =	vmul.f32 v63, v59  }
0xbb: {  	vm5 =	veq.s32 v18, $0x0;
	v30 =	vsel vm2, $0xFFFFFFFF, v35;
	vm15 =	veq.s32 v18, $0x5;
	[tilespmem:$0x1FF80] =	vst v19  }
0xbc: {  	vm11 =	veq.s32 v18, $0x2;
	[tilespmem:$0x1FFB0] =	vst v30;
	v34 =	vsel vm15, $0xFFFFFFFF, v34;
	v36 =	vnsel vm5, $0x0, v28  }
0xbd: {  	vm13 =	veq.s32 v18, $0x3;
	[tilespmem:$0x1FF90] =	vst v34;
	v37 =	vnsel vm9, $0x0, v28;
	v30 =	vsel vm8, v63, v36  }
0xbe: {  	vm1 =	veq.s32 v18, $0x6;
	v31 =	vsel vm10, v63, v37;
	v36 =	vimm.s32 $0x0;
	[tilespmem:s29+$0x800] =	vst v30  }
0xbf: {  	v33 =	vnsel vm11, $0x0, v28;
	v40 =	vnsel vm1, $0x0, v28;
	v36 =	vsel vm1, $0xFFFFFFFF, v36;
	[tilespmem:s25+$0x800] =	vst v31  }
0xc0: {  	v43 =	vld [tilespmem:$0x1FF60];
	v33 =	vsel vm6, v63, v33;
	v37 =	vimm.s32 $0x0;
	vm1 =	veq.s32 v18, $0x7;
	[tilespmem:$0x1FFA0] =	vst v36  }
0xc1: {  	vm14 =	veq.s32 v18, $0x4;
	v38 =	vnsel vm13, $0x0, v28;
	v37 =	vsel vm1, $0xFFFFFFFF, v37;
	[tilespmem:s29+$0x900] =	vst v33  }
0xc2: {  	v39 =	vnsel vm14, $0x0, v28;
	v32 =	vsel vm12, v63, v38;
	vm12 =	veq.s32 v61, $0x4;
	[tilespmem:$0x1FFC0] =	vst v37  }
0xc3: {  	v49 =	vld [tilespmem:$0x1FFF0];
	v35 =	vnsel vm15, $0x0, v28;
	vm15 =	veq.s32 v61, $0x5;
	v34 =	vsel vm12, v63, v39;
	[tilespmem:s30+$0x800] =	vst v32  }
0xc4: {  	v54 =	vadd.f32 v23, v14;
	vm0 =	vmor vm0, vm3;
	v35 =	vsel vm15, v63, v35;
	[tilespmem:s29+$0xA00] =	vst v34  }
0xc5: {  	v42 =	vld [tilespmem:$0x1FF50];
	vm3 =	vnez.u8 v43;
	v28 =	vnsel vm1, $0x0, v28;
	v36 =	vsel vm2, v63, v40;
	[tilespmem:s31+$0x800] =	vst v35  }
0xc6: {  	s14 =	sshrl.u32 s28, $0x2;
	v51 =	vsel vm0, $0x3F800000, v1;
	v52 =	vld [tilespmem:$0x1FF80];
	vm5 =	vmor vm8, vm5;
	v19 =	vsel vm7, v63, v28;
	[tilespmem:s29+$0xB00] =	vst v36  }
0xc7: {  	s13 =	sor.u32 s26, s14;
	v4 =	vadd.f32 v51, v4;
	v57 =	vld [tilespmem:$0x1FF90];
	vm10 =	vmor vm10, vm9;
	v45 =	vsel vm5, $0x3F800000, v1;
	[tilespmem:s19+$0x800] =	vst v19  }
0xc8: {  	v60 =	vld [tilespmem:$0x1FFB0];
	vm8 =	vmor vm6, vm11;
	vm9 =	vnez.u8 v49;
	v17 =	vadd.f32 v30, v17;
	[tilespmem:s13+$0x1000] =	vst v61  }
0xc9: {  	v44 =	vld [tilespmem:$0x1FF70];
	v12 =	vadd.f32 v45, v12;
	v47 =	vsel vm10, $0x3F800000, v1;
	v16 =	vadd.f32 v31, v16;
	[tilespmem:s13+$0x1080] =	vst v18  }
0xca: {  	v25 =	vsel vm9, $0x3F800000, v1;
	v50 =	vsel vm8, $0x3F800000, v1;
	v15 =	vadd.f32 v33, v15;
	[tilespmem:$0x1200] =	vst v17  }
0xcb: {  	vm10 =	vnez.u8 v52;
	v13 =	vadd.f32 v32, v13;
	v9 =	vadd.f32 v47, v9;
	[tilespmem:$0x1600] =	vst v12  }
0xcc: {  	vm11 =	vmor vm12, vm14;
	vm12 =	vnez.u8 v57;
	v7 =	vadd.f32 v35, v7;
	[tilespmem:$0x1280] =	vst v16  }
0xcd: {  	vm14 =	vnez.u8 v60;
	vm0 =	vmor vm10, vm13;
	v6 =	vadd.f32 v50, v6;
	[tilespmem:$0x1680] =	vst v9  }
0xce: {  	vm2 =	vnez.u8 v42;
	vm1 =	vnez.u8 v44;
	v53 =	vsel vm0, $0x3F800000, v1;
	v59 =	vld [tilespmem:$0x1FFA0];
	[tilespmem:$0x1300] =	vst v15  }
0xcf: {  	v55 =	vsel vm11, $0x3F800000, v1;
	v56 =	vadd.f32 v34, v54;
	v5 =	vadd.f32 v53, v5;
	v62 =	vld [tilespmem:$0x1FFC0];
	[tilespmem:$0x1700] =	vst v6  }
0xd0: {  	v8 =	vadd.f32 v25, v8;
	vm2 =	vmor vm4, vm2;
	vm3 =	vmor vm1, vm3;
	[tilespmem:$0x1380] =	vst v13  }
0xd1: {  	vm0 =	vmor vm15, vm12;
	v3 =	vadd.f32 v36, v3;
	v46 =	vsel vm3, $0x3F800000, v1;
	[tilespmem:$0x1780] =	vst v5  }
0xd2: {  	v48 =	vsel vm2, $0x3F800000, v1;
	v58 =	vsel vm0, $0x3F800000, v1;
	v11 =	vadd.f32 v46, v11;
	[tilespmem:$0x1400] =	vst v56  }
0xd3: {  	v2 =	vadd.f32 v19, v2;
	v10 =	vadd.f32 v48, v10;
	vm13 =	vnez.u8 v59;
	[tilespmem:$0x1480] =	vst v7  }
0xd4: {  	vm0 =	vmor vm14, vm13;
	vm15 =	vnez.u8 v62;
	v6 =	vadd.f32 v55, v11;
	[tilespmem:$0x1500] =	vst v3  }
0xd5: {  	v5 =	vadd.f32 v58, v10;
	v61 =	vsel vm0, $0x3F800000, v1;
	vm0 =	vmor vm7, vm15;
	[tilespmem:$0x1580] =	vst v2  }
0xd6: {  	v63 =	vsel vm0, $0x3F800000, v1;
	[tilespmem:$0x1800] =	vst v6;
	v6 =	vadd.f32 v61, v8  }
0xd7: {  	[tilespmem:$0x1880] =	vst v5;
	v3 =	vadd.f32 v63, v4  }
0xd8: {  	[tilespmem:$0x1900] =	vst v6  }
0xd9: {  	[tilespmem:$0x1980] =	vst v3  }
0xda: {  	[hbm4b:s4+s2] =	stream.linear.scatter [tilespmem:s9], [sflag:$0x1], $0x800, $0x38;
	[tilespmem:$0x1A00] =	vst v63  }
0xdb: {  	_ =	swait.ge [sflag:s8], $0x800  }
0xdc: {  	[sflag:s8] =	ssyncset.done $0x0  }
0xdd: {  	[sflag:s8] =	ssyncadd.s32 $0xFFFFF800  }
0xde: {  	[hbm4b:s5+s2] =	stream.linear.scatter [tilespmem:s10], [sflag:$0x1], $0x200, $0x38;
	[tilespmem:$0x1A00] =	vst v63  }
0xdf: {  	s12 =	sadd.s32 $0x1, s12;
	_ =	swait.ge [sflag:s8], $0x200  }
0xe0: {  	p0 =	sne.s32 s12, s7;
	[sflag:s8] =	ssyncset.done $0x0  }
.Ltmp1:
0xe1: {  	[sflag:s8] =	ssyncadd.s32 $0xFFFFFE00;
	(pc) =	sbr.rel @p0 .LBB2_1-.Ltmp1, $4  }
0xe2: {  	[hbm4b:s6+s2] =	stream.linear.scatter [tilespmem:s11], [sflag:$0x1], $0x800, $0x38;
	[tilespmem:$0x1A00] =	vst v63  }
0xe3: {  	_ =	swait.ge [sflag:s8], $0x800  }
0xe4: {  	[sflag:s8] =	ssyncset.done $0x0  }
0xe5: {  	[sflag:s8] =	ssyncadd.s32 $0xFFFFF800  }
0xe6: {  	_ =	sfence.sel $0x180000  }
0xe7: {  	[bflag:$0x0] =	sbarrier.arrive $0xFFFF  }
0xe8: {  	p0 =	sne.s32 s1, $0x0;
	_ =	strace $0x9000004A  }
0xe9: {  	s0 =	sadd.s32 @!p0 $0x100000, s0;
	[bflag:$0x2] =	sbarrier.arrive $0xFFFF  }
0xea: {  	[sflag:s0] =	ssyncadd.tile.s32 @!p0 $0x1;
	_ =	shalt  }
.Lfunc_end2:
_tile_overlayer_lowered:
.L_overlay_start_2:
0xeb: {  	(tag) =	ssettag $0x2  }
0xec: {  	s0 =	rddreg [dreg:$0x0];
	s2 =	stileid.u32  }
0xed: {  	s1 =	rddreg [dreg:$0x1];
	p0 =	sne.s32 s2, $0x0  }
0xee: {  	s3 =	rddreg [dreg:$0x2];
	[bflag:$0x3] =	sbarrier.arrive $0xFFFF;
	s2 =	simm.s32 @!p0 $0x1C01  }
0xef: {  	[timem:s3], [sflag:s2] =	dma.local @!p0 [hbm:s0], s1  }
0xf0: {  	s0 =	simm.s32 @!p0 $0x1  }
0xf1: {  	_ =	swait.ge @!p0 [sflag:s0], s1  }
0xf2: {  	s1 =	ssub.s32 @!p0 $0x0, s1;
	[sflag:s0] =	ssyncset.done @!p0 $0x0  }
0xf3: {  	[sflag:s0] =	ssyncadd.s32 @!p0 s1  }
0xf4: {  	[bflag:$0x3] =	sbarrier.arrive $0xFFFF  }
0xf5: {  	_ =	shalt  }

// kernel: kernel.9.cloned.1.call-start
scs
__scs_entry_jumppad:
0x0: {  	(pc) =	sbr.rel $0x88, $3  }
0x1: {  	(tag) =	ssettag $0x0;
	lr =	simm.s32 $0x1  }
0x2: {  	[smem:$0x3F9B] =	sst lr;
	_ =	strace $0xD0000000  }
0x3: {  	_ = 	snop  }
0x4: {  	_ = 	snop  }
0x5: {  	_ = 	snop  }
0x6: {  	_ = 	snop  }
0x7: {  	_ = 	snop  }
__scs_overlays_trampoline_lowered:
0x8: {  	[smem:$0x3FAA] =	sst s0  }
0x9: {  	[smem:$0x3FAB] =	sst s1  }
0xa: {  	[smem:$0x3FAC] =	sst s2  }
0xb: {  	[smem:$0x3FAD] =	sst s3  }
0xc: {  	[smem:$0x3FAE] =	sst s4  }
0xd: {  	[smem:$0x3FAF] =	sst s5  }
0xe: {  	[smem:$0x3FB0] =	sst s6  }
0xf: {  	[smem:$0x3FB1] =	sst s7  }
0x10: {  	[smem:$0x3FB2] =	sst s8  }
0x11: {  	[smem:$0x3FB3] =	sst s9;
	s0 =	simm.s32 @!p0 $0x0  }
0x12: {  	s1 =	sld [smem:$0x3F99];
	s0 =	simm.s32 @p0 $0x1  }
0x13: {  	[smem:$0x3FB4] =	sst s0;
	s0 =	simm.s32 @!p1 $0x0  }
0x14: {  	s2 =	sld [smem:$0x3F98];
	s0 =	simm.s32 @p1 $0x1  }
0x15: {  	[smem:$0x3FB5] =	sst s0;
	s0 =	simm.s32 @!p2 $0x0  }
0x16: {  	s3 =	sld [smem:$0x3FDB];
	s0 =	simm.s32 @p2 $0x1  }
0x17: {  	s4 =	simm.s32 $0x1BF5;
	[smem:$0x3FB7] =	sst s0  }
0x18: {  	s0 =	sld [smem:$0x3F9A];
	_ =	swait.ge [sflag:s4], $0x0  }
0x19: {  	s7 =	sld [smem:$0x3F9B]  }
0x1a: {  	s8 =	sadd.s32 $0xFFFFE003, lr  }
0x1b: {  	s9 =	sadd.s32 $0xFFFFFEF7, lr;
	s5 =	simm.s32 $0xFFFFFFFF;
	p2 =	slt.u32 s8, $0xFFFFF086  }
0x1c: {  	p1 =	slt.u32 s9, $0xF7A;
	s5 =	simm.s32 @!p2 $0x0  }
0x1d: {  	s5 =	simm.s32 @p1 $0x1;
	p0 =	seq.s32 s7, s2  }
0x1e: {  	s7 =	smul.u32 @!p0 $0xF7A, s2;
	p2 =	seq.s32 @!p0 s5, $0x0  }
0x1f: {  	s9 =	smul.u32 $0xF7A, s1;
	s8 =	simm.s32 @!p0 $0x1BF5;
	p2 =	por !p2, p0  }
0x20: {  	[sflag:s8] =	ssyncset.s32 @!p0 $0xFFFFF086;
	s6 =	sadd.s32 @!p0 s3, s7;
	s7 =	simm.s32 @!p0 $0x108  }
0x21: {  	s3 =	sadd.s32 s3, s9;
	s6 =	sadd.s32 @!p0 $0x88, s6;
	s7 =	simm.s32 @p2 $0x1082  }
0x22: {  	[simem:s7], [sflag:s8] =	dma.local @!p0 [hbm:s6], $0xF7A  }
0x23: {  	s9 =	sor.u32 $0xD0000000, s2;
	s6 =	simm.s32 $0x108;
	_ =	swait.ge @!p0 [sflag:s8], $0x0  }
0x24: {  	s3 =	sadd.s32 $0x88, s3;
	s6 =	simm.s32 @!p1 $0x1082;
	[sflag:s4] =	ssyncset.s32 $0xFFFFF086  }
0x25: {  	[simem:s6], [sflag:s4] =	dma.local [hbm:s3], $0xF7A  }
0x26: {  	[smem:$0x3F9B] =	sst s1;
	(tag) =	ssettag s2;
	_ =	strace s9  }
0x27: {  	s1 =	sld [smem:$0x3FAB]  }
0x28: {  	s2 =	sld [smem:$0x3FAC]  }
0x29: {  	s4 =	sld [smem:$0x3FAE]  }
0x2a: {  	p0 =	seq.s32 s5, $0x0;
	s5 =	sld [smem:$0x3FAF]  }
0x2b: {  	s6 =	sld [smem:$0x3FB0]  }
0x2c: {  	s7 =	sld [smem:$0x3FB1]  }
0x2d: {  	s3 =	simm.s32 $0x108;
	s8 =	sld [smem:$0x3FB2]  }
0x2e: {  	s3 =	simm.s32 @!p0 $0x1082;
	s9 =	sld [smem:$0x3FB3]  }
0x2f: {  	lr =	sadd.s32 s0, s3;
	s0 =	sld [smem:$0x3FAA]  }
0x30: {  	s3 =	sld [smem:$0x3FAD]  }
0x31: {  	[smem:$0x3FB6] =	sst s10  }
0x32: {  	s10 =	sld [smem:$0x3FB4];
	_ =	sdelay $0x3  }
0x33: {  	p0 =	seq.s32 s10, $0x1;
	s10 =	sld [smem:$0x3FB6];
	_ =	sdelay $0x3  }
0x34: {  	[smem:$0x3FB6] =	sst s10  }
0x35: {  	s10 =	sld [smem:$0x3FB5];
	_ =	sdelay $0x3  }
0x36: {  	p1 =	seq.s32 s10, $0x1;
	s10 =	sld [smem:$0x3FB6];
	_ =	sdelay $0x3  }
0x37: {  	[smem:$0x3FB6] =	sst s10  }
0x38: {  	s10 =	sld [smem:$0x3FB7]  }
0x39: {  	_ = 	snop;
	(pc) =	sbr.ind lr, $3  }
0x3a: {  	_ = 	snop  }
0x3b: {  	_ = 	snop  }
0x3c: {  	p2 =	seq.s32 s10, $0x1;
	s10 =	sld [smem:$0x3FB6]  }
0x3d: {  	_ =	shalt  }
0x3e: {  	_ =	shalt  }
0x3f: {  	_ =	shalt  }
0x40: {  	_ =	shalt  }
0x41: {  	_ =	shalt  }
0x42: {  	_ =	shalt  }
0x43: {  	_ =	shalt  }
0x44: {  	_ =	shalt  }
0x45: {  	_ =	shalt  }
0x46: {  	_ =	shalt  }
0x47: {  	_ =	shalt  }
0x48: {  	_ =	shalt  }
0x49: {  	_ =	shalt  }
0x4a: {  	_ =	shalt  }
0x4b: {  	_ =	shalt  }
0x4c: {  	_ =	shalt  }
0x4d: {  	_ =	shalt  }
0x4e: {  	_ =	shalt  }
0x4f: {  	_ =	shalt  }
0x50: {  	_ =	shalt  }
0x51: {  	_ =	shalt  }
0x52: {  	_ =	shalt  }
0x53: {  	_ =	shalt  }
0x54: {  	_ =	shalt  }
0x55: {  	_ =	shalt  }
0x56: {  	_ =	shalt  }
0x57: {  	_ =	shalt  }
0x58: {  	_ =	shalt  }
0x59: {  	_ =	shalt  }
0x5a: {  	_ =	shalt  }
0x5b: {  	_ =	shalt  }
0x5c: {  	_ =	shalt  }
0x5d: {  	_ =	shalt  }
0x5e: {  	_ =	shalt  }
0x5f: {  	_ =	shalt  }
0x60: {  	_ =	shalt  }
0x61: {  	_ =	shalt  }
0x62: {  	_ =	shalt  }
0x63: {  	_ =	shalt  }
0x64: {  	_ =	shalt  }
0x65: {  	_ =	shalt  }
0x66: {  	_ =	shalt  }
0x67: {  	_ =	shalt  }
0x68: {  	_ =	shalt  }
0x69: {  	_ =	shalt  }
0x6a: {  	_ =	shalt  }
0x6b: {  	_ =	shalt  }
0x6c: {  	_ =	shalt  }
0x6d: {  	_ =	shalt  }
0x6e: {  	_ =	shalt  }
0x6f: {  	_ =	shalt  }
0x70: {  	_ =	shalt  }
0x71: {  	_ =	shalt  }
0x72: {  	_ =	shalt  }
0x73: {  	_ =	shalt  }
0x74: {  	_ =	shalt  }
0x75: {  	_ =	shalt  }
0x76: {  	_ =	shalt  }
0x77: {  	_ =	shalt  }
0x78: {  	_ =	shalt  }
0x79: {  	_ =	shalt  }
0x7a: {  	_ =	shalt  }
0x7b: {  	_ =	shalt  }
0x7c: {  	_ =	shalt  }
0x7d: {  	_ =	shalt  }
0x7e: {  	_ =	shalt  }
0x7f: {  	_ =	shalt  }
0x80: {  	_ =	shalt  }
0x81: {  	_ =	shalt  }
0x82: {  	_ =	shalt  }
0x83: {  	_ =	shalt  }
0x84: {  	_ =	shalt  }
0x85: {  	_ =	shalt  }
0x86: {  	_ =	shalt  }
0x87: {  	_ =	shalt  }
.Lfunc_end0:
.L_simem_size_0:
called_computation.1_lowered:
.L_overlay_start_0:
0x88: {  	s2 =	sld [smem:$0x3FD9]  }
0x89: {  	s3 =	sld [smem:$0x3FFE];
	_ =	sdelay $0x1  }
0x8a: {  	s1 =	srdreg.scid  }
0x8b: {  	s0 =	sand.u32 $0x1, s1  }
0x8c: {  	s14 =	sshll.u32 s0, $0xA;
	s2 =	sadd.s32 s3, s2  }
0x8d: {  	s2 =	sadd.s32 s2, s14  }
0x8e: {  	[smem:$0x3FC2] =	sst s2  }
0x8f: {  	_ = 	snop  }
0x90: {  	s2 =	sld [smem:$0x3FD0];
	_ =	sdelay $0x2  }
0x91: {  	s15 =	simm.s32 $0xB;
	s4 =	simm.s32 $0x10  }
0x92: {  	[smem:s4], [sflag:s15] =	dma.local [hbm:s2], $0x1  }
0x93: {  	_ =	swait.eq [sflag:s15], $0x1  }
0x94: {  	[sflag:s15] =	ssyncset.done $0x0  }
0x95: {  	[sflag:s15] =	ssyncadd.s32 $0xFFFFFFFF  }
0x96: {  	s16 =	sld [smem:$0x10];
	(tm) =	ssettm $0x1  }
0x97: {  	s17 =	sld [smem:$0x3FFB];
	_ =	sdelay $0x3  }
0x98: {  	_ =	strace s17  }
0x99: {  	s3 =	sld [smem:$0x3FFC];
	_ =	sdelay $0x3  }
0x9a: {  	_ =	strace s3  }
0x9b: {  	s3 =	sld [smem:$0x3FFD];
	_ =	sdelay $0x3  }
0x9c: {  	_ =	strace s3  }
0x9d: {  	_ =	strace $0x8FFFFFFF  }
0x9e: {  	s18 =	sld [smem:$0x3FDB];
	_ =	sdelay $0x1  }
0x9f: {  	s19 =	simm.s32 $_scs_section_size  }
0xa0: {  	s5 =	simm.s32 $_size__tile_overlayer_lowered;
	s6 =	simm.s32 $_tile_overlayer_lowered  }
0xa1: {  	s22 =	simm.s32 $0x1BFF;
	s21 =	sshll.u32 s6, $0x1;
	s3 =	sadd.s32 s19, s18  }
0xa2: {  	s7 =	simm.s32 $0x0;
	s20 =	sshll.u32 s5, $0x1;
	s5 =	sadd.s32 s21, s3  }
0xa3: {  	[timem:s7], [sflag:s22] =	dma.local [hbm:s5], s20  }
0xa4: {  	_ =	swait.ge [sflag:s22], s20  }
0xa5: {  	s4 =	ssub.s32 $0x0, s20;
	[sflag:s22] =	ssyncset.done $0x0  }
0xa6: {  	[sflag:s22] =	ssyncadd.s32 s4;
	_ =	sdelay $0x1  }
0xa7: {  	s23 =	simm.s32 $0x1B8B  }
0xa8: {  	_ =	swait.ge [sflag:s23], $0x1  }
0xa9: {  	[sflag:s23] =	ssyncset.done $0x0  }
0xaa: {  	s25 =	simm.s32 $0x1B8E;
	s24 =	sld [smem:$0x3FFE];
	[sflag:s23] =	ssyncadd.s32 $0xFFFFFFFF  }
0xab: {  	s26 =	simm.s32 $execute0_lowered;
	[smem:$0x3FD2] =	sst s25  }
0xac: {  	s5 =	sshll.u32 s26, $0x1;
	_ =	strace $0x80000046;
	[dreg:$0x1] =	wrdreg $0xFFFFFFFF  }
0xad: {  	s28 =	simm.s32 $_size_execute0_lowered;
	s3 =	sadd.s32 s3, s5;
	[dreg:$0x0] =	wrdreg $0x0  }
0xae: {  	s5 =	sshll.u32 s28, $0x1;
	[dreg:$0x2] =	wrdreg s3  }
0xaf: {  	[dreg:$0x3] =	wrdreg s5  }
0xb0: {  	[dreg:$0x4] =	wrdreg $0xC0  }
0xb1: {  	_ =	task [dreg:s7], $0x5FFFF  }
0xb2: {  	[dreg:$0x1] =	wrdreg $0xFFFFFFFF  }
0xb3: {  	[dreg:$0x0] =	wrdreg $0x60  }
0xb4: {  	[dreg:$0x2] =	wrdreg s16  }
0xb5: {  	[dreg:$0x3] =	wrdreg s24  }
0xb6: {  	[dreg:$0x4] =	wrdreg $0xA  }
0xb7: {  	_ =	task.clear_ibuf [dreg:s7], $0x5FFFF;
	_ =	strace $0x90000046  }
0xb8: {  	s29 =	simm.s32 $0xA;
	_ =	strace $0x80000048  }
0xb9: {  	_ =	swait.ge [sflag:s29], $0x1  }
0xba: {  	[sflag:s29] =	ssyncadd.s32 $0xFFFFFFFF  }
0xbb: {  	_ =	strace $0x90000048  }
0xbc: {  	_ =	sfence  }
0xbd: {  	s30 =	sld [smem:$0x0];
	_ =	sdelay $0x2  }
0xbe: {  	s31 =	sshll.u32 s1, $0xD;
	s1 =	sshrl.u32 s1, $0x2  }
0xbf: {  	s3 =	sand.u32 $0x4000, s31;
	s1 =	sadd.s32 s1, s30  }
0xc0: {  	s0 =	sor.u32 s3, s0;
	s1 =	sshll.u32 s1, $0x11  }
0xc1: {  	s0 =	sor.u32 s1, s0  }
0xc2: {  	s0 =	sadd.s32 $0x8F2B, s0  }
0xc3: {  	[sflag:s0] =	ssyncadd.remote.s32 $0x1  }
0xc4: {  	_ =	sfence.sel $0xFFFF  }
0xc5: {  	[dreg:$0x0] =	wrdreg $0xFFFFFFFF;
	(pc) =	sbr.abs _section_cstart, $3  }
0xc6: {  	[dreg:$0x1] =	wrdreg $0xFFFFFFFF  }
0xc7: {  	_ =	task.clear_ibuf [dreg:s7], $0x2FFFF;
	_ =	strace $0x9FFFFFFF  }
0xc8: {  	(tm) =	ssettm $0x7FFFFFFF  }
0xc9: {  	_ =	shalt  }
tec
execute0_lowered:
.L_overlay_start_1:
0x0: {  	(tag) =	ssettag $0x1  }
0x1: {  	s3 =	rddreg [dreg:$0x0]  }
0x2: {  	s4 =	rddreg [dreg:$0x1]  }
0x3: {  	s0 =	rddreg [dreg:$0x2];
	s5 =	srdreg.scid  }
0x4: {  	s1 =	stileid.u32;
	s2 =	simm.s32 $0x0;
	s10 =	simm.s32 $0x1000  }
0x5: {  	s11 =	simm.s32 $0x1200;
	s5 =	sand.u32 $0x1, s5;
	s6 =	sshll.u32 s1, $0x1  }
0x6: {  	s12 =	simm.s32 $0x0;
	[smem:$0x7FF] =	sst s2;
	s6 =	sor.u32 s5, s6  }
0x7: {  	_ =	strace $0x80000047;
	s5 =	ssub.s32 $0x2, s5;
	s7 =	sshll.u32 s6, $0x6  }
0x8: {  	s6 =	sshll.u32 s6, $0x8;
	s8 =	sshrl.u32 s5, $0x1;
	s7 =	sadd.s32 s7, s4  }
0x9: {  	s9 =	sadd.s32 s6, s4;
	s8 =	ssub.s32 s5, s8;
	s3 =	sadd.s32 s3, s6  }
0xa: {  	s4 =	sadd.s32 $0x2E00, s9;
	s5 =	sadd.s32 $0x4E00, s7;
	s6 =	sadd.s32 $0xE00, s9  }
0xb: {  	v0 =	vimm.s32 $0x0;
	v1 =	vimm.f32 $0.0e+00;
	s7 =	smax.u32 s8, $0x1;
	s8 =	simm.s32 $0x1;
	s9 =	simm.s32 $0x800  }
.LBB2_1:
0xc: {  	[tilespmem:s2], [sflag:$0x1] =	stream.linear.gather [hbm4b:s3+s2], $0x800, $0x38;
	[tilespmem:$0x1A00] =	vst v63  }
0xd: {  	s13 =	sand.u32 $0xFFFFFC00, s2;
	_ =	swait.ge [sflag:s8], $0x800  }
0xe: {  	s14 =	sand.u32 $0x7FFFFC00, s2;
	s19 =	sadd.s32 $0x0, s13;
	[sflag:s8] =	ssyncset.done $0x0  }
0xf: {  	s13 =	sand.u32 $0x70, s2;
	s16 =	sor.u32 $0x80, s19;
	[sflag:s8] =	ssyncadd.s32 $0xFFFFF800  }
0x10: {  	s17 =	sor.u32 s13, s14;
	v2 =	vld [tilespmem:s16+$0x0]  }
0x11: {  	v3 =	vld [tilespmem:s17+$0x0]  }
0x12: {  	v4 =	vld [tilespmem:s17+$0x100];
	_ =	sdelay $0x1  }
0x13: {  	s15 =	sor.u32 $0x180, s19  }
0x14: {  	v5 =	vld [tilespmem:s15+$0x0]  }
0x15: {  	v6 =	vmin.f32 v3, v2  }
0x16: {  	v7 =	vmax.f32 v3, v2;
	vm3 =	vgt.f32 v4, v6  }
0x17: {  	v8 =	vld [tilespmem:s17+$0x200];
	vm2 =	vgt.f32 v4, v7;
	v6 =	vsel vm3, v4, v6  }
0x18: {  	v6 =	vsel vm2, v7, v6  }
0x19: {  	s18 =	sor.u32 $0x280, s19;
	v4 =	vsel vm2, v4, v7;
	vm5 =	vgt.f32 v5, v6  }
0x1a: {  	v7 =	vld [tilespmem:s18+$0x0];
	vm4 =	vgt.f32 v5, v4;
	v6 =	vsel vm5, v5, v6  }
0x1b: {  	v6 =	vsel vm4, v4, v6  }
0x1c: {  	v4 =	vsel vm4, v5, v4;
	vm6 =	vgt.f32 v8, v6  }
0x1d: {  	v5 =	vld [tilespmem:s17+$0x300];
	vm7 =	vgt.f32 v8, v4;
	v6 =	vsel vm6, v8, v6  }
0x1e: {  	v6 =	vsel vm7, v4, v6  }
0x1f: {  	s19 =	sor.u32 $0x380, s19;
	v4 =	vsel vm7, v8, v4;
	vm9 =	vgt.f32 v7, v6  }
0x20: {  	v8 =	vld [tilespmem:s19+$0x0];
	vm8 =	vgt.f32 v7, v4;
	v6 =	vsel vm9, v7, v6  }
0x21: {  	v6 =	vsel vm8, v4, v6  }
0x22: {  	v4 =	vsel vm8, v7, v4;
	vm10 =	vgt.f32 v5, v6  }
0x23: {  	vm1 =	vgt.f32 v5, v4;
	v6 =	vsel vm10, v5, v6  }
0x24: {  	v6 =	vsel vm1, v4, v6  }
0x25: {  	v4 =	vsel vm1, v5, v4;
	vm11 =	vgt.f32 v8, v6  }
0x26: {  	vm0 =	vgt.f32 v8, v4;
	v5 =	vsel vm11, v8, v6  }
0x27: {  	v5 =	vsel vm0, v4, v5;
	v4 =	vsel vm0, v8, v4  }
0x28: {  	v4 =	vsub.f32 v5, v4  }
0x29: {  	vm12 =	vgt.f32 v2, v3  }
0x2a: {  	vm13 =	vmneg vm12;
	v4 =	vmul.f32 $1.442695020e+00, v4  }
0x2b: {  	v2 =	vsel vm13, $0x1, v0  }
0x2c: {  	v3 =	vsel vm12, $0x1, v0;
	v2 =	vsel vm3, $0x2, v2;
	(erf) = vpow2.f32 v4  }
0x2d: {  	v2 =	vsel vm2, v3, v2  }
0x2e: {  	v3 =	vsel vm2, $0x2, v3;
	v2 =	vsel vm5, $0x3, v2  }
0x2f: {  	v2 =	vsel vm4, v3, v2  }
0x30: {  	v17 =	vimm.f32 $0.0e+00;
	v3 =	vsel vm4, $0x3, v3;
	v2 =	vsel vm6, $0x4, v2  }
0x31: {  	v13 =	vimm.f32 $0.0e+00;
	v16 =	vimm.f32 $0.0e+00;
	v2 =	vsel vm7, v3, v2  }
0x32: {  	v15 =	vimm.f32 $0.0e+00;
	v3 =	vsel vm7, $0x4, v3;
	v2 =	vsel vm9, $0x5, v2  }
0x33: {  	v11 =	vimm.f32 $0.0e+00;
	v10 =	vimm.f32 $0.0e+00;
	v2 =	vsel vm8, v3, v2  }
0x34: {  	v14 =	vimm.f32 $0.0e+00;
	v3 =	vsel vm8, $0x5, v3;
	v2 =	vsel vm10, $0x6, v2  }
0x35: {  	v7 =	vimm.f32 $0.0e+00;
	v2 =	vsel vm1, v3, v2;
	v3 =	vsel vm1, $0x6, v3;
	v4 =	vpop (erf)  }
0x36: {  	v2 =	vsel vm11, $0x7, v2;
	v19 =	vsel vm0, $0x7, v3;
	v5 =	vadd.f32 $1.000000000e+00, v4  }
0x37: {  	vm4 =	vmneg vm0;
	v18 =	vsel vm0, v3, v2;
	vm7 =	veq.s32 v19, $0x3  }
0x38: {  	vm9 =	veq.s32 v19, $0x1;
	vm11 =	veq.s32 v19, $0x0;
	(erf) = vrcp.f32 v5  }
0x39: {  	vm6 =	veq.s32 v19, $0x2;
	vm8 =	vmand vm4, vm1;
	vm4 =	veq.s32 v19, $0x5  }
0x3a: {  	v8 =	vimm.f32 $0.0e+00;
	vm10 =	veq.s32 v18, $0x1;
	vm5 =	veq.s32 v18, $0x2  }
0x3b: {  	vm13 =	veq.s32 v18, $0x0;
	vm12 =	veq.s32 v18, $0x3;
	vm14 =	veq.s32 v18, $0x6  }
0x3c: {  	vm15 =	veq.s32 v18, $0x7;
	vm2 =	vmor vm9, vm10;
	vm3 =	vmor vm6, vm5  }
0x3d: {  	vm1 =	vmor vm8, vm14;
	v2 =	vsel vm2, $0x3F800000, v1;
	v3 =	vsel vm3, $0x3F800000, v1  }
0x3e: {  	vm2 =	vmor vm7, vm12;
	vm3 =	vmor vm11, vm13;
	v9 =	vadd.f32 v2, v1  }
0x3f: {  	v6 =	vadd.f32 v3, v1;
	v2 =	vsel vm2, $0x3F800000, v1;
	v3 =	vsel vm3, $0x3F800000, v1  }
0x40: {  	vm2 =	veq.s32 v19, $0x4;
	v5 =	vadd.f32 v2, v1;
	v2 =	vimm.s32 $0x0  }
0x41: {  	v12 =	vadd.f32 v3, v1;
	v3 =	vimm.f32 $0.0e+00;
	v2 =	vsel vm1, $0xFFFFFFFF, v2;
	v20 =	vpop (erf)  }
0x42: {  	s21 =	simm.s32 $0x80;
	s22 =	simm.s32 $0x100;
	s20 =	simm.s32 $0x10;
	[tilespmem:$0x1FFF0] =	vst v2;
	v2 =	vimm.f32 $0.0e+00;
	v21 =	vmul.f32 v20, v4;
	v4 =	vimm.f32 $0.0e+00  }
.LBB2_2:
0x43: {  	v22 =	vimm.s32 $0x0  }
0x44: {  	v22 =	vsel vm8, $0xFFFFFFFF, v22  }
0x45: {  	vm8 =	vmmov vm0;
	vm0 =	vmor vm0, vm15;
	[tilespmem:$0x1FFD0] =	vst v22;
	v22 =	vimm.s32 $0x0  }
0x46: {  	v22 =	vsel vm0, $0xFFFFFFFF, v22  }
0x47: {  	vm1 =	veq.s32 v18, $0x4;
	v29 =	vld [tilespmem:$0x1FFD0];
	[tilespmem:$0x1FFE0] =	vst v22;
	v22 =	vnsel vm13, $0x0, v21  }
0x48: {  	vm3 =	vmmov vm2;
	v23 =	vnsel vm10, $0x0, v21;
	v22 =	vsel vm11, v20, v22  }
0x49: {  	vm2 =	veq.s32 v18, $0x5;
	v25 =	vnsel vm5, $0x0, v21;
	v23 =	vsel vm9, v20, v23;
	[tilespmem:s17+$0x800] =	vst v22  }
0x4a: {  	v24 =	vnsel vm12, $0x0, v21;
	v26 =	vnsel vm1, $0x0, v21;
	v25 =	vsel vm6, v20, v25;
	[tilespmem:s16+$0x800] =	vst v23  }
0x4b: {  	v27 =	vnsel vm2, $0x0, v21;
	v28 =	vnsel vm14, $0x0, v21;
	v24 =	vsel vm7, v20, v24;
	[tilespmem:s17+$0x900] =	vst v25  }
0x4c: {  	v26 =	vsel vm3, v20, v26;
	v27 =	vsel vm4, v20, v27;
	vm0 =	vnez.u8 v29;
	[tilespmem:s15+$0x800] =	vst v24  }
0x4d: {  	v21 =	vnsel vm15, $0x0, v21;
	v28 =	vsel vm0, v20, v28;
	vm0 =	vmor vm3, vm1;
	[tilespmem:s17+$0xA00] =	vst v26  }
0x4e: {  	v20 =	vsel vm8, v20, v21;
	v21 =	vsel vm0, $0x3F800000, v1;
	[tilespmem:s18+$0x800] =	vst v27  }
0x4f: {  	v11 =	vadd.f32 v21, v11;
	v21 =	vld [tilespmem:$0x1FFF0];
	[tilespmem:s17+$0xB00] =	vst v28  }
0x50: {  	v2 =	vadd.f32 v20, v2;
	[tilespmem:s19+$0x800] =	vst v20;
	v20 =	vld [tilespmem:$0x1FFE0]  }
0x51: {  	s23 =	sand.u32 $0xFFFFFC00, s21;
	s14 =	sshrl.u32 s14, $0x2  }
0x52: {  	s23 =	sadd.s32 s23, s20;
	s31 =	sor.u32 s13, s14  }
0x53: {  	s25 =	sor.u32 $0x80, s23;
	[tilespmem:s31+$0x1000] =	vst v19  }
0x54: {  	s13 =	sand.u32 $0x70, s20;
	s14 =	sand.u32 $0x7FFFFC00, s21;
	s16 =	smov.u32 s25;
	[tilespmem:s31+$0x1080] =	vst v18;
	vm0 =	vnez.u8 v21  }
0x55: {  	s17 =	sor.u32 s13, s14;
	v18 =	vld [tilespmem:s16+$0x0];
	v21 =	vsel vm0, $0x3F800000, v1;
	vm0 =	vnez.u8 v20  }
0x56: {  	v19 =	vld [tilespmem:s17+$0x0];
	v20 =	vsel vm0, $0x3F800000, v1  }
0x57: {  	v4 =	vadd.f32 v20, v4;
	v20 =	vld [tilespmem:s17+$0x100]  }
0x58: {  	vm2 =	vmor vm4, vm2  }
0x59: {  	v17 =	vadd.f32 v22, v17;
	v22 =	vsel vm2, $0x3F800000, v1;
	s15 =	sor.u32 $0x180, s23  }
0x5a: {  	v13 =	vadd.f32 v24, v13;
	v10 =	vadd.f32 v22, v10;
	v22 =	vld [tilespmem:s15+$0x0]  }
0x5b: {  	vm0 =	vgt.f32 v18, v19;
	v58 =	vmax.f32 v19, v18;
	v18 =	vmin.f32 v19, v18  }
0x5c: {  	vm1 =	vmneg vm0;
	v19 =	vsel vm0, $0x1, v0;
	vm0 =	vgt.f32 v20, v18  }
0x5d: {  	v59 =	vld [tilespmem:s17+$0x200];
	v60 =	vsel vm1, $0x1, v0;
	vm1 =	vgt.f32 v20, v58;
	v18 =	vsel vm0, v20, v18  }
0x5e: {  	v16 =	vadd.f32 v23, v16;
	v14 =	vadd.f32 v26, v14;
	v18 =	vsel vm1, v58, v18  }
0x5f: {  	s18 =	sor.u32 $0x280, s23;
	v26 =	vsel vm0, $0x2, v60;
	v20 =	vsel vm1, v20, v58;
	vm0 =	vgt.f32 v22, v18  }
0x60: {  	v62 =	vld [tilespmem:s18+$0x0];
	v8 =	vadd.f32 v21, v8;
	vm2 =	vgt.f32 v22, v20;
	v18 =	vsel vm0, v22, v18  }
0x61: {  	v61 =	vsel vm1, v19, v26;
	v19 =	vsel vm1, $0x2, v19;
	v18 =	vsel vm2, v20, v18  }
0x62: {  	v24 =	vsel vm0, $0x3, v61;
	v20 =	vsel vm2, v22, v20;
	vm0 =	vgt.f32 v59, v18  }
0x63: {  	v21 =	vld [tilespmem:s17+$0x300];
	v22 =	vsel vm2, v19, v24;
	vm1 =	vgt.f32 v59, v20;
	v18 =	vsel vm0, v59, v18  }
0x64: {  	v19 =	vsel vm2, $0x3, v19;
	v22 =	vsel vm0, $0x4, v22;
	v18 =	vsel vm1, v20, v18  }
0x65: {  	s19 =	sor.u32 $0x380, s23;
	v22 =	vsel vm1, v19, v22;
	v20 =	vsel vm1, v59, v20;
	vm0 =	vgt.f32 v62, v18  }
0x66: {  	v23 =	vld [tilespmem:s19+$0x0];
	v19 =	vsel vm1, $0x4, v19;
	vm1 =	vgt.f32 v62, v20;
	v18 =	vsel vm0, v62, v18  }
0x67: {  	v22 =	vsel vm0, $0x5, v22;
	v18 =	vsel vm1, v20, v18  }
0x68: {  	v22 =	vsel vm1, v19, v22;
	v20 =	vsel vm1, v62, v20;
	vm0 =	vgt.f32 v21, v18  }
0x69: {  	v19 =	vsel vm1, $0x5, v19;
	vm1 =	vgt.f32 v21, v20;
	v18 =	vsel vm0, v21, v18  }
0x6a: {  	v22 =	vsel vm0, $0x6, v22;
	v18 =	vsel vm1, v20, v18  }
0x6b: {  	v21 =	vsel vm1, v21, v20;
	v22 =	vsel vm1, v19, v22;
	vm2 =	vgt.f32 v23, v18  }
0x6c: {  	v20 =	vsel vm1, $0x6, v19;
	vm0 =	vgt.f32 v23, v21;
	v18 =	vsel vm2, v23, v18  }
0x6d: {  	v22 =	vsel vm2, $0x7, v22;
	v63 =	vsel vm0, v21, v18;
	v21 =	vsel vm0, v23, v21  }
0x6e: {  	v19 =	vsel vm0, $0x7, v20;
	v18 =	vsel vm0, v20, v22;
	v20 =	vsub.f32 v63, v21;
	_ =	sdelay $0x1  }
0x6f: {  	v20 =	vmul.f32 $1.442695020e+00, v20;
	_ =	sdelay $0x1  }
0x70: {  	(erf) = vpow2.f32 v20;
	_ =	sdelay $0x3  }
0x71: {  	vm6 =	veq.s32 v19, $0x2;
	vm5 =	veq.s32 v18, $0x2  }
0x72: {  	vm3 =	vmneg vm0;
	vm4 =	vmor vm6, vm5  }
0x73: {  	vm9 =	veq.s32 v19, $0x1;
	vm10 =	veq.s32 v18, $0x1;
	v21 =	vsel vm4, $0x3F800000, v1  }
0x74: {  	vm7 =	veq.s32 v19, $0x3;
	vm12 =	veq.s32 v18, $0x3;
	vm2 =	vmor vm9, vm10  }
0x75: {  	vm8 =	vmand vm3, vm1;
	vm1 =	vmor vm7, vm12;
	v20 =	vsel vm2, $0x3F800000, v1  }
0x76: {  	v6 =	vadd.f32 v21, v6;
	v9 =	vadd.f32 v20, v9;
	v20 =	vsel vm1, $0x3F800000, v1;
	v21 =	vpop (erf)  }
0x77: {  	v5 =	vadd.f32 v20, v5;
	v20 =	vadd.f32 $1.000000000e+00, v21;
	_ =	sdelay $0x1  }
0x78: {  	(erf) = vrcp.f32 v20;
	_ =	sdelay $0x3  }
0x79: {  	vm11 =	veq.s32 v19, $0x0;
	vm13 =	veq.s32 v18, $0x0  }
0x7a: {  	p0 =	sne.s32 s22, $0x780;
	vm1 =	vmor vm11, vm13  }
.Ltmp0:
0x7b: {  	v20 =	vsel vm1, $0x3F800000, v1;
	(pc) =	sbr.rel @p0 .LBB2_2-.Ltmp0, $4  }
0x7c: {  	v7 =	vadd.f32 v27, v7;
	v15 =	vadd.f32 v25, v15;
	vm14 =	veq.s32 v18, $0x6  }
0x7d: {  	v3 =	vadd.f32 v28, v3;
	v22 =	vimm.s32 $0x0;
	vm1 =	vmor vm8, vm14  }
0x7e: {  	s24 =	smov.u32 s22;
	vm15 =	veq.s32 v18, $0x7;
	v12 =	vadd.f32 v20, v12;
	v22 =	vsel vm1, $0xFFFFFFFF, v22;
	v20 =	vpop (erf)  }
0x7f: {  	s22 =	sadd.s32 $0x80, s22;
	s21 =	smov.u32 s24;
	s20 =	sadd.s32 $0x10, s20;
	vm4 =	veq.s32 v19, $0x5;
	vm2 =	veq.s32 v19, $0x4;
	[tilespmem:$0x1FFF0] =	vst v22;
	v21 =	vmul.f32 v20, v21  }
0x80: {  	_ = 	snop  }
0x81: {  	vm1 =	veq.s32 v18, $0x4;
	v45 =	vimm.s32 $0x0;
	v22 =	vnsel vm13, $0x0, v21  }
0x82: {  	vm3 =	veq.s32 v18, $0x5;
	v23 =	vnsel vm10, $0x0, v21;
	v27 =	vsel vm11, v20, v22  }
0x83: {  	v47 =	vimm.s32 $0x0;
	v26 =	vsel vm9, v20, v23;
	v23 =	vsel vm1, $0xFFFFFFFF, v45;
	[tilespmem:s17+$0x800] =	vst v27  }
0x84: {  	v22 =	vsel vm3, $0xFFFFFFFF, v47;
	[tilespmem:$0x1FF60] =	vst v23  }
0x85: {  	v44 =	vnsel vm5, $0x0, v21;
	[tilespmem:$0x1FF50] =	vst v22  }
0x86: {  	v46 =	vnsel vm12, $0x0, v21;
	v25 =	vsel vm6, v20, v44;
	[tilespmem:s16+$0x800] =	vst v26  }
0x87: {  	v48 =	vnsel vm1, $0x0, v21;
	v24 =	vsel vm7, v20, v46;
	[tilespmem:s17+$0x900] =	vst v25  }
0x88: {  	v28 =	vnsel vm3, $0x0, v21;
	v23 =	vsel vm2, v20, v48;
	[tilespmem:s15+$0x800] =	vst v24  }
0x89: {  	v49 =	vnsel vm14, $0x0, v21;
	v22 =	vsel vm4, v20, v28;
	[tilespmem:s17+$0xA00] =	vst v23  }
0x8a: {  	v29 =	vnsel vm15, $0x0, v21;
	v21 =	vsel vm8, v20, v49;
	[tilespmem:s18+$0x800] =	vst v22  }
0x8b: {  	s14 =	sshrl.u32 s14, $0x2;
	v20 =	vsel vm0, v20, v29;
	[tilespmem:s17+$0xB00] =	vst v21  }
0x8c: {  	s22 =	sand.u32 $0xFFFFFC00, s21;
	s23 =	sor.u32 s13, s14;
	[tilespmem:s19+$0x800] =	vst v20  }
0x8d: {  	s24 =	sadd.s32 s22, s20;
	[tilespmem:s23+$0x1000] =	vst v19  }
0x8e: {  	s26 =	sand.u32 $0x70, s20;
	s28 =	sand.u32 $0x7FFFFC00, s21;
	s25 =	sor.u32 $0x80, s24;
	[tilespmem:s23+$0x1080] =	vst v18  }
0x8f: {  	s29 =	sor.u32 s26, s28;
	v18 =	vld [tilespmem:s25+$0x0]  }
0x90: {  	v19 =	vld [tilespmem:s29+$0x0]  }
0x91: {  	v50 =	vld [tilespmem:s29+$0x100];
	_ =	sdelay $0x1  }
0x92: {  	s30 =	sor.u32 $0x180, s24  }
0x93: {  	v51 =	vld [tilespmem:s30+$0x0]  }
0x94: {  	v30 =	vmin.f32 v19, v18  }
0x95: {  	v31 =	vmax.f32 v19, v18;
	vm3 =	vgt.f32 v50, v30  }
0x96: {  	v32 =	vld [tilespmem:s29+$0x200];
	vm5 =	vgt.f32 v50, v31;
	v30 =	vsel vm3, v50, v30  }
0x97: {  	v30 =	vsel vm5, v31, v30  }
0x98: {  	s31 =	sor.u32 $0x280, s24;
	v28 =	vsel vm5, v50, v31;
	vm10 =	vgt.f32 v51, v30  }
0x99: {  	v52 =	vld [tilespmem:s31+$0x0];
	vm9 =	vgt.f32 v51, v28;
	v30 =	vsel vm10, v51, v30  }
0x9a: {  	v30 =	vsel vm9, v28, v30  }
0x9b: {  	v28 =	vsel vm9, v51, v28;
	vm1 =	vgt.f32 v32, v30  }
0x9c: {  	v53 =	vld [tilespmem:s29+$0x300];
	vm11 =	vgt.f32 v32, v28;
	v30 =	vsel vm1, v32, v30  }
0x9d: {  	v30 =	vsel vm11, v28, v30  }
0x9e: {  	s19 =	sor.u32 $0x380, s24;
	v28 =	vsel vm11, v32, v28;
	vm12 =	vgt.f32 v52, v30  }
0x9f: {  	v54 =	vld [tilespmem:s19+$0x0];
	vm13 =	vgt.f32 v52, v28;
	v30 =	vsel vm12, v52, v30  }
0xa0: {  	v55 =	vimm.s32 $0x0;
	v30 =	vsel vm13, v28, v30  }
0xa1: {  	v31 =	vsel vm2, $0xFFFFFFFF, v55;
	v28 =	vsel vm13, v52, v28;
	vm2 =	vgt.f32 v53, v30  }
0xa2: {  	vm6 =	vgt.f32 v53, v28;
	v30 =	vsel vm2, v53, v30  }
0xa3: {  	v30 =	vsel vm6, v28, v30  }
0xa4: {  	v28 =	vsel vm6, v53, v28;
	vm14 =	vgt.f32 v54, v30  }
0xa5: {  	vm7 =	vgt.f32 v54, v28;
	v56 =	vsel vm14, v54, v30  }
0xa6: {  	v29 =	vsel vm7, v28, v56;
	v28 =	vsel vm7, v54, v28  }
0xa7: {  	v28 =	vsub.f32 v29, v28;
	_ =	sdelay $0x1  }
0xa8: {  	v28 =	vmul.f32 $1.442695020e+00, v28;
	_ =	sdelay $0x1  }
0xa9: {  	(erf) = vpow2.f32 v28;
	_ =	sdelay $0x4  }
0xaa: {  	v57 =	vimm.s32 $0x0  }
0xab: {  	v28 =	vsel vm15, $0xFFFFFFFF, v57;
	vm15 =	vgt.f32 v18, v19  }
0xac: {  	vm8 =	vmneg vm15  }
0xad: {  	v58 =	vsel vm8, $0x1, v0  }
0xae: {  	v19 =	vsel vm15, $0x1, v0;
	v18 =	vsel vm3, $0x2, v58;
	v59 =	vpop (erf)  }
0xaf: {  	v62 =	vimm.s32 $0x0;
	v18 =	vsel vm5, v19, v18;
	v60 =	vadd.f32 $1.000000000e+00, v59  }
0xb0: {  	v35 =	vimm.s32 $0x0;
	v19 =	vsel vm5, $0x2, v19;
	v18 =	vsel vm10, $0x3, v18  }
0xb1: {  	v34 =	vimm.s32 $0x0;
	[tilespmem:$0x1FF40] =	vst v28;
	v18 =	vsel vm9, v19, v18;
	(erf) = vrcp.f32 v60  }
0xb2: {  	v17 =	vadd.f32 v27, v17;
	v41 =	vld [tilespmem:$0x1FF40];
	v19 =	vsel vm9, $0x3, v19;
	v18 =	vsel vm1, $0x4, v18  }
0xb3: {  	v16 =	vadd.f32 v26, v16;
	v15 =	vadd.f32 v25, v15;
	v18 =	vsel vm11, v19, v18  }
0xb4: {  	v13 =	vadd.f32 v24, v13;
	v19 =	vsel vm11, $0x4, v19;
	v18 =	vsel vm12, $0x5, v18  }
0xb5: {  	v3 =	vadd.f32 v21, v3;
	v7 =	vadd.f32 v22, v7;
	v18 =	vsel vm13, v19, v18  }
0xb6: {  	v2 =	vadd.f32 v20, v2;
	v19 =	vsel vm13, $0x5, v19;
	v18 =	vsel vm2, $0x6, v18  }
0xb7: {  	vm3 =	vnez.u8 v41;
	v18 =	vsel vm6, v19, v18;
	v19 =	vsel vm6, $0x6, v19  }
0xb8: {  	v18 =	vsel vm14, $0x7, v18;
	v61 =	vsel vm7, $0x7, v19;
	vm14 =	vmneg vm7  }
0xb9: {  	v18 =	vsel vm7, v19, v18;
	vm12 =	veq.s32 v61, $0x3;
	vm10 =	veq.s32 v61, $0x1  }
0xba: {  	vm8 =	veq.s32 v61, $0x0;
	vm2 =	vmand vm14, vm6;
	vm6 =	veq.s32 v61, $0x2;
	v63 =	vpop (erf)  }
0xbb: {  	[tilespmem:$0x1FF70] =	vst v31;
	v19 =	vsel vm12, $0xFFFFFFFF, v62;
	vm9 =	veq.s32 v18, $0x1;
	v28 =	vmul.f32 v63, v59  }
0xbc: {  	vm5 =	veq.s32 v18, $0x0;
	v30 =	vsel vm2, $0xFFFFFFFF, v35;
	vm15 =	veq.s32 v18, $0x5;
	[tilespmem:$0x1FF80] =	vst v19  }
0xbd: {  	vm11 =	veq.s32 v18, $0x2;
	[tilespmem:$0x1FFB0] =	vst v30;
	v34 =	vsel vm15, $0xFFFFFFFF, v34;
	v36 =	vnsel vm5, $0x0, v28  }
0xbe: {  	vm13 =	veq.s32 v18, $0x3;
	[tilespmem:$0x1FF90] =	vst v34;
	v37 =	vnsel vm9, $0x0, v28;
	v30 =	vsel vm8, v63, v36  }
0xbf: {  	vm1 =	veq.s32 v18, $0x6;
	v31 =	vsel vm10, v63, v37;
	v36 =	vimm.s32 $0x0;
	[tilespmem:s29+$0x800] =	vst v30  }
0xc0: {  	v33 =	vnsel vm11, $0x0, v28;
	v40 =	vnsel vm1, $0x0, v28;
	v36 =	vsel vm1, $0xFFFFFFFF, v36;
	[tilespmem:s25+$0x800] =	vst v31  }
0xc1: {  	v43 =	vld [tilespmem:$0x1FF60];
	v33 =	vsel vm6, v63, v33;
	v37 =	vimm.s32 $0x0;
	vm1 =	veq.s32 v18, $0x7;
	[tilespmem:$0x1FFA0] =	vst v36  }
0xc2: {  	vm14 =	veq.s32 v18, $0x4;
	v38 =	vnsel vm13, $0x0, v28;
	v37 =	vsel vm1, $0xFFFFFFFF, v37;
	[tilespmem:s29+$0x900] =	vst v33  }
0xc3: {  	v39 =	vnsel vm14, $0x0, v28;
	v32 =	vsel vm12, v63, v38;
	vm12 =	veq.s32 v61, $0x4;
	[tilespmem:$0x1FFC0] =	vst v37  }
0xc4: {  	v49 =	vld [tilespmem:$0x1FFF0];
	v35 =	vnsel vm15, $0x0, v28;
	vm15 =	veq.s32 v61, $0x5;
	v34 =	vsel vm12, v63, v39;
	[tilespmem:s30+$0x800] =	vst v32  }
0xc5: {  	v54 =	vadd.f32 v23, v14;
	vm0 =	vmor vm0, vm3;
	v35 =	vsel vm15, v63, v35;
	[tilespmem:s29+$0xA00] =	vst v34  }
0xc6: {  	v42 =	vld [tilespmem:$0x1FF50];
	vm3 =	vnez.u8 v43;
	v28 =	vnsel vm1, $0x0, v28;
	v36 =	vsel vm2, v63, v40;
	[tilespmem:s31+$0x800] =	vst v35  }
0xc7: {  	s14 =	sshrl.u32 s28, $0x2;
	v51 =	vsel vm0, $0x3F800000, v1;
	v52 =	vld [tilespmem:$0x1FF80];
	vm5 =	vmor vm8, vm5;
	v19 =	vsel vm7, v63, v28;
	[tilespmem:s29+$0xB00] =	vst v36  }
0xc8: {  	s13 =	sor.u32 s26, s14;
	v4 =	vadd.f32 v51, v4;
	v57 =	vld [tilespmem:$0x1FF90];
	vm10 =	vmor vm10, vm9;
	v45 =	vsel vm5, $0x3F800000, v1;
	[tilespmem:s19+$0x800] =	vst v19  }
0xc9: {  	v60 =	vld [tilespmem:$0x1FFB0];
	vm8 =	vmor vm6, vm11;
	vm9 =	vnez.u8 v49;
	v17 =	vadd.f32 v30, v17;
	[tilespmem:s13+$0x1000] =	vst v61  }
0xca: {  	v44 =	vld [tilespmem:$0x1FF70];
	v12 =	vadd.f32 v45, v12;
	v47 =	vsel vm10, $0x3F800000, v1;
	v16 =	vadd.f32 v31, v16;
	[tilespmem:s13+$0x1080] =	vst v18  }
0xcb: {  	v25 =	vsel vm9, $0x3F800000, v1;
	v50 =	vsel vm8, $0x3F800000, v1;
	v15 =	vadd.f32 v33, v15;
	[tilespmem:$0x1200] =	vst v17  }
0xcc: {  	vm10 =	vnez.u8 v52;
	v13 =	vadd.f32 v32, v13;
	v9 =	vadd.f32 v47, v9;
	[tilespmem:$0x1600] =	vst v12  }
0xcd: {  	vm11 =	vmor vm12, vm14;
	vm12 =	vnez.u8 v57;
	v7 =	vadd.f32 v35, v7;
	[tilespmem:$0x1280] =	vst v16  }
0xce: {  	vm14 =	vnez.u8 v60;
	vm0 =	vmor vm10, vm13;
	v6 =	vadd.f32 v50, v6;
	[tilespmem:$0x1680] =	vst v9  }
0xcf: {  	vm2 =	vnez.u8 v42;
	vm1 =	vnez.u8 v44;
	v53 =	vsel vm0, $0x3F800000, v1;
	v59 =	vld [tilespmem:$0x1FFA0];
	[tilespmem:$0x1300] =	vst v15  }
0xd0: {  	v55 =	vsel vm11, $0x3F800000, v1;
	v56 =	vadd.f32 v34, v54;
	v5 =	vadd.f32 v53, v5;
	v62 =	vld [tilespmem:$0x1FFC0];
	[tilespmem:$0x1700] =	vst v6  }
0xd1: {  	v8 =	vadd.f32 v25, v8;
	vm2 =	vmor vm4, vm2;
	vm3 =	vmor vm1, vm3;
	[tilespmem:$0x1380] =	vst v13  }
0xd2: {  	vm0 =	vmor vm15, vm12;
	v3 =	vadd.f32 v36, v3;
	v46 =	vsel vm3, $0x3F800000, v1;
	[tilespmem:$0x1780] =	vst v5  }
0xd3: {  	v48 =	vsel vm2, $0x3F800000, v1;
	v58 =	vsel vm0, $0x3F800000, v1;
	v11 =	vadd.f32 v46, v11;
	[tilespmem:$0x1400] =	vst v56  }
0xd4: {  	v2 =	vadd.f32 v19, v2;
	v10 =	vadd.f32 v48, v10;
	vm13 =	vnez.u8 v59;
	[tilespmem:$0x1480] =	vst v7  }
0xd5: {  	vm0 =	vmor vm14, vm13;
	vm15 =	vnez.u8 v62;
	v6 =	vadd.f32 v55, v11;
	[tilespmem:$0x1500] =	vst v3  }
0xd6: {  	v5 =	vadd.f32 v58, v10;
	v61 =	vsel vm0, $0x3F800000, v1;
	vm0 =	vmor vm7, vm15;
	[tilespmem:$0x1580] =	vst v2  }
0xd7: {  	v63 =	vsel vm0, $0x3F800000, v1;
	[tilespmem:$0x1800] =	vst v6;
	v6 =	vadd.f32 v61, v8  }
0xd8: {  	[tilespmem:$0x1880] =	vst v5;
	v3 =	vadd.f32 v63, v4  }
0xd9: {  	[tilespmem:$0x1900] =	vst v6  }
0xda: {  	[tilespmem:$0x1980] =	vst v3  }
0xdb: {  	[hbm4b:s4+s2] =	stream.linear.scatter [tilespmem:s9], [sflag:$0x1], $0x800, $0x38;
	[tilespmem:$0x1A00] =	vst v63  }
0xdc: {  	_ =	swait.ge [sflag:s8], $0x800  }
0xdd: {  	[sflag:s8] =	ssyncset.done $0x0  }
0xde: {  	[sflag:s8] =	ssyncadd.s32 $0xFFFFF800  }
0xdf: {  	[hbm4b:s5+s2] =	stream.linear.scatter [tilespmem:s10], [sflag:$0x1], $0x200, $0x38;
	[tilespmem:$0x1A00] =	vst v63  }
0xe0: {  	s12 =	sadd.s32 $0x1, s12;
	_ =	swait.ge [sflag:s8], $0x200  }
0xe1: {  	p0 =	sne.s32 s12, s7;
	[sflag:s8] =	ssyncset.done $0x0  }
.Ltmp1:
0xe2: {  	[sflag:s8] =	ssyncadd.s32 $0xFFFFFE00;
	(pc) =	sbr.rel @p0 .LBB2_1-.Ltmp1, $4  }
0xe3: {  	[hbm4b:s6+s2] =	stream.linear.scatter [tilespmem:s11], [sflag:$0x1], $0x800, $0x38;
	[tilespmem:$0x1A00] =	vst v63  }
0xe4: {  	_ =	swait.ge [sflag:s8], $0x800  }
0xe5: {  	[sflag:s8] =	ssyncset.done $0x0  }
0xe6: {  	[sflag:s8] =	ssyncadd.s32 $0xFFFFF800  }
0xe7: {  	_ =	sfence.sel $0x180000  }
0xe8: {  	[bflag:$0x0] =	sbarrier.arrive $0xFFFF  }
0xe9: {  	p0 =	sne.s32 s1, $0x0;
	_ =	strace $0x90000047  }
0xea: {  	s0 =	sadd.s32 @!p0 $0x100000, s0;
	[bflag:$0x2] =	sbarrier.arrive $0xFFFF  }
0xeb: {  	[sflag:s0] =	ssyncadd.tile.s32 @!p0 $0x1;
	_ =	shalt  }
.Lfunc_end2:
_tile_overlayer_lowered:
.L_overlay_start_2:
0xec: {  	(tag) =	ssettag $0x2  }
0xed: {  	s0 =	rddreg [dreg:$0x0];
	s2 =	stileid.u32  }
0xee: {  	s1 =	rddreg [dreg:$0x1];
	p0 =	sne.s32 s2, $0x0  }
0xef: {  	s3 =	rddreg [dreg:$0x2];
	[bflag:$0x3] =	sbarrier.arrive $0xFFFF;
	s2 =	simm.s32 @!p0 $0x1C01  }
0xf0: {  	[timem:s3], [sflag:s2] =	dma.local @!p0 [hbm:s0], s1  }
0xf1: {  	s0 =	simm.s32 @!p0 $0x1  }
0xf2: {  	_ =	swait.ge @!p0 [sflag:s0], s1  }
0xf3: {  	s1 =	ssub.s32 @!p0 $0x0, s1;
	[sflag:s0] =	ssyncset.done @!p0 $0x0  }
0xf4: {  	[sflag:s0] =	ssyncadd.s32 @!p0 s1  }
0xf5: {  	[bflag:$0x3] =	sbarrier.arrive $0xFFFF  }
0xf6: {  	_ =	shalt  }

</sc_bundles>
